<compile_context>
chip_gen: v7x
topology: tpu7x:2x2x1
jax: 0.10.2.dev20260603
libtpu: 0.0.44.dev20260713+nightly
codegen_flags: <defaults>
</compile_context>

<pallas_src>
import functools

import jax
import jax.numpy as jnp
from jax import lax
from jax.experimental import pallas as pl
from jax.experimental.pallas import tpu as pltpu
from jax.experimental.pallas import tpu_sc as plsc

_LANES = 16


@functools.lru_cache(maxsize=None)
def _make_gather(n, v, d):
    info = plsc.get_sparse_core_info()
    nc, ns = info.num_cores, info.num_subcores
    nw = nc * ns
    assert n % nw == 0
    per_w = n // nw
    chunk = 8
    nbuf = 8
    depth = 4
    assert per_w % chunk == 0
    n_chunks = per_w // chunk
    assert n_chunks % nbuf == 0 and depth < nbuf

    mesh = plsc.VectorSubcoreMesh(core_axis_name="c", subcore_axis_name="s")

    @functools.partial(
        pl.kernel,
        out_type=jax.ShapeDtypeStruct((n, d), jnp.float32),
        mesh=mesh,
        scratch_types=[
            pltpu.VMEM((per_w,), jnp.int32),
            pltpu.VMEM((nbuf * chunk, d), jnp.float32),
            pltpu.SemaphoreType.DMA((nbuf,)),
            pltpu.SemaphoreType.DMA((nbuf,)),
        ],
    )
    def gather_kernel(idx_hbm, table_hbm, out_hbm, idx_v, rows_v, in_sems, out_sems):
        wid = lax.axis_index("s") * nc + lax.axis_index("c")
        base = wid * per_w
        pltpu.sync_copy(idx_hbm.at[pl.ds(base, per_w)], idx_v)

        def clamp_body(i, carry):
            sl = pl.ds(i * _LANES, _LANES)
            x = idx_v[sl]
            idx_v[sl] = jnp.minimum(jnp.maximum(x, 0), v - 1)
            return carry

        lax.fori_loop(0, per_w // _LANES, clamp_body, 0, unroll=4)

        def gather_chunk(j, slot):
            idx_slice = idx_v.at[pl.ds(j * chunk, chunk)]
            dst = rows_v.at[pl.ds(slot * chunk, chunk)]
            return pltpu.async_copy(table_hbm.at[idx_slice], dst, in_sems.at[slot])

        def wait_in(slot):
            pltpu.make_async_copy(
                table_hbm.at[idx_v.at[pl.ds(0, chunk)]],
                rows_v.at[pl.ds(slot * chunk, chunk)],
                in_sems.at[slot],
            ).wait()

        def wait_out(slot):
            pltpu.make_async_copy(
                rows_v.at[pl.ds(slot * chunk, chunk)],
                out_hbm.at[pl.ds(base, chunk)],
                out_sems.at[slot],
            ).wait()

        for g in range(depth):
            gather_chunk(g, g)

        def ring_body(k, carry):
            for s in range(nbuf):
                j = k * nbuf + s
                wait_in(s)
                s2 = (s + depth) % nbuf

                @pl.when(j + depth - nbuf >= 0)
                def _():
                    wait_out(s2)

                @pl.when(j + depth < n_chunks)
                def _():
                    gather_chunk(j + depth, s2)

                pltpu.async_copy(
                    rows_v.at[pl.ds(s * chunk, chunk)],
                    out_hbm.at[pl.ds(base + j * chunk, chunk)],
                    out_sems.at[s],
                )
            return carry

        lax.fori_loop(0, n_chunks // nbuf, ring_body, 0)
        for m in range(n_chunks - (nbuf - depth), n_chunks):
            wait_out(m % nbuf)

    return gather_kernel


def kernel(position_ids, table):
    b, s = position_ids.shape
    v, d = table.shape
    n = b * s
    idx_flat = position_ids.reshape(n).astype(jnp.int32)
    out = _make_gather(n, v, d)(idx_flat, table)
    return out.reshape(b, s, d)

# --- scband reference (transcript-rebuilt; emitter-appended) ---
"""Pipeline reference for scband-learned-positional-embedding-extrapolate-56040733278281 (READ-ONLY COPY).

The authoritative reference and input builder live on the scoring server;
editing this copy changes nothing except your own understanding.
"""

import jax, jax.numpy as jnp
import numpy as np

MAX_CTX = 8192
D_MODEL = 1024
BATCH = 4
SEQ = 8192


def setup_inputs(seed: int = 0) -> dict:
    key = jax.random.key(seed)
    k1, k2 = jax.random.split(key)
    position_ids = jax.random.randint(k1, (BATCH, SEQ), 0, MAX_CTX)
    # learned positional embedding table, init std=0.02
    table = jax.random.normal(k2, (MAX_CTX, D_MODEL), dtype=jnp.float32) * 0.02
    return {"position_ids": position_ids, "table": table}


def reference(position_ids, table):
    # extrapolation_method='clip': positions beyond max_context_length are clamped
    # to the last valid index; in-range positions are a plain embedding gather.
    clipped_ids = jnp.clip(position_ids, 0, MAX_CTX - 1)
    return jnp.take(table, clipped_ids, axis=0)

if __name__ == "__main__":
    import jax
    _d = setup_inputs()
    print(jax.jit(kernel)(*tuple(_d.values())))

</pallas_src>

<mosaic_0001>
#map = affine_map<(d0, d1) -> (0)>
#map1 = affine_map<(d0, d1) -> (0, 0)>
module attributes {stable_mosaic.version = 14 : i64} {
  func.func @gather_kernel(%arg0: i32, %arg1: i32, %arg2: memref<32768xi32, #tpu.memory_space<hbm>>, %arg3: memref<8192x1024xf32, #tpu.memory_space<hbm>>, %arg4: memref<32768x1024xf32, #tpu.memory_space<hbm>>, %arg5: memref<1024xi32, #tpu.memory_space<vmem>>, %arg6: memref<64x1024xf32, #tpu.memory_space<vmem>>, %arg7: memref<8x!tpu.dma_semaphore, #tpu.memory_space<semaphore_mem>>, %arg8: memref<8x!tpu.dma_semaphore, #tpu.memory_space<semaphore_mem>>) attributes {dimension_semantics = [#tpu.dimension_semantics<core_parallel>, #tpu.dimension_semantics<subcore_parallel>], iteration_bounds = array<i64: 2, 16>, scalar_prefetch = 0 : i64, scratch_operands = 4 : i64, tpu.core_type = #tpu.core_type<sc_vector_subcore>, window_params = [{transform_indices = #map}, {transform_indices = #map1}, {transform_indices = #map1}]} {
    %mul3A = arith.constant 2 : i32
    %mul3A_0 = arith.muli %arg1, %mul3A : i32
    %add3A = arith.addi %mul3A_0, %arg0 : i32
    %mul3A_1 = arith.constant 1024 : i32
    %mul3A_2 = arith.muli %add3A, %mul3A_1 : i32
    "tpu.region"() ({
      %run_scoped3A = tpu.sem_alloc : memref<!tpu.dma_semaphore, #tpu.memory_space<semaphore_mem>>
      %dma_start3A_108 = tpu.memref_slice %arg2[%mul3A_2] : memref<32768xi32, #tpu.memory_space<hbm>> -> memref<1024xi32, #tpu.memory_space<hbm>>
      %dma_start3A_109 = tpu.memref_slice %arg2[%mul3A_2] : memref<32768xi32, #tpu.memory_space<hbm>> -> memref<1024xi32, #tpu.memory_space<hbm>>
      tpu.enqueue_dma source(%dma_start3A_109 : memref<1024xi32, #tpu.memory_space<hbm>>) target(%arg5 : memref<1024xi32, #tpu.memory_space<vmem>>) target_semaphore(%run_scoped3A : memref<!tpu.dma_semaphore, #tpu.memory_space<semaphore_mem>>)
      %dma_wait3A_110 = tpu.memref_slice %arg2[%mul3A_2] : memref<32768xi32, #tpu.memory_space<hbm>> -> memref<1024xi32, #tpu.memory_space<hbm>>
      %dma_wait3A_111 = tpu.memref_slice %arg2[%mul3A_2] : memref<32768xi32, #tpu.memory_space<hbm>> -> memref<1024xi32, #tpu.memory_space<hbm>>
      tpu.wait_dma2 semaphore(%run_scoped3A : memref<!tpu.dma_semaphore, #tpu.memory_space<semaphore_mem>>) src(%dma_wait3A_111 : memref<1024xi32, #tpu.memory_space<hbm>>) dst(%arg5 : memref<1024xi32, #tpu.memory_space<vmem>>)
      tpu.yield
    }) : () -> ()
    %scan3A = arith.constant 0 : i32
    %scan3A_3 = arith.constant 0 : i32
    %scan3A_4 = arith.constant 64 : i32
    %scan3A_5 = arith.addi %scan3A_3, %scan3A_4 : i32
    %scan3A_6 = arith.constant 4 : i32
    scf.for %scan3A_108 = %scan3A_3 to %scan3A_5 step %scan3A_6  : i32 {
      %mul3A_109 = arith.constant 16 : i32
      %mul3A_110 = arith.muli %scan3A_108, %mul3A_109 : i32
      %get3A = arith.index_cast %mul3A_110 : i32 to index
      %get3A_111 = tpu.vector_load %arg5[%get3A] {strides = array<i32>} : memref<1024xi32, #tpu.memory_space<vmem>>, vector<16xi32>,
      %get3A_112 = vector.shape_cast %get3A_111 : vector<16xi32> to vector<16xi32>
      %max3A = arith.constant 0 : i32
      %max3A_113 = vector.broadcast %max3A : i32 to vector<16xi32>
      %max3A_114 = arith.maxsi %get3A_112, %max3A_113 : vector<16xi32>
      %min3A = arith.constant 8191 : i32
      %min3A_115 = vector.broadcast %min3A : i32 to vector<16xi32>
      %min3A_116 = arith.minsi %max3A_114, %min3A_115 : vector<16xi32>
      %swap3A = arith.index_cast %mul3A_110 : i32 to index
      %swap3A_117 = tpu.vector_load %arg5[%swap3A] {strides = array<i32>} : memref<1024xi32, #tpu.memory_space<vmem>>, vector<16xi32>,
      %swap3A_118 = vector.shape_cast %swap3A_117 : vector<16xi32> to vector<16xi32>
      %swap3A_119 = vector.shape_cast %min3A_116 : vector<16xi32> to vector<16xi32>
      tpu.vector_store %arg5[%swap3A], %swap3A_119 {strides = array<i32>} : memref<1024xi32, #tpu.memory_space<vmem>>, vector<16xi32>,
      %scan3A_120 = arith.constant 1 : i32
      %scan3A_121 = arith.addi %scan3A_108, %scan3A_120 : i32
      %mul3A_122 = arith.constant 16 : i32
      %mul3A_123 = arith.muli %scan3A_121, %mul3A_122 : i32
      %get3A_124 = arith.index_cast %mul3A_123 : i32 to index
      %get3A_125 = tpu.vector_load %arg5[%get3A_124] {strides = array<i32>} : memref<1024xi32, #tpu.memory_space<vmem>>, vector<16xi32>,
      %get3A_126 = vector.shape_cast %get3A_125 : vector<16xi32> to vector<16xi32>
      %max3A_127 = arith.constant 0 : i32
      %max3A_128 = vector.broadcast %max3A_127 : i32 to vector<16xi32>
      %max3A_129 = arith.maxsi %get3A_126, %max3A_128 : vector<16xi32>
      %min3A_130 = arith.constant 8191 : i32
      %min3A_131 = vector.broadcast %min3A_130 : i32 to vector<16xi32>
      %min3A_132 = arith.minsi %max3A_129, %min3A_131 : vector<16xi32>
      %swap3A_133 = arith.index_cast %mul3A_123 : i32 to index
      %swap3A_134 = tpu.vector_load %arg5[%swap3A_133] {strides = array<i32>} : memref<1024xi32, #tpu.memory_space<vmem>>, vector<16xi32>,
      %swap3A_135 = vector.shape_cast %swap3A_134 : vector<16xi32> to vector<16xi32>
      %swap3A_136 = vector.shape_cast %min3A_132 : vector<16xi32> to vector<16xi32>
      tpu.vector_store %arg5[%swap3A_133], %swap3A_136 {strides = array<i32>} : memref<1024xi32, #tpu.memory_space<vmem>>, vector<16xi32>,
      %scan3A_137 = arith.constant 2 : i32
      %scan3A_138 = arith.addi %scan3A_108, %scan3A_137 : i32
      %mul3A_139 = arith.constant 16 : i32
      %mul3A_140 = arith.muli %scan3A_138, %mul3A_139 : i32
      %get3A_141 = arith.index_cast %mul3A_140 : i32 to index
      %get3A_142 = tpu.vector_load %arg5[%get3A_141] {strides = array<i32>} : memref<1024xi32, #tpu.memory_space<vmem>>, vector<16xi32>,
      %get3A_143 = vector.shape_cast %get3A_142 : vector<16xi32> to vector<16xi32>
      %max3A_144 = arith.constant 0 : i32
      %max3A_145 = vector.broadcast %max3A_144 : i32 to vector<16xi32>
      %max3A_146 = arith.maxsi %get3A_143, %max3A_145 : vector<16xi32>
      %min3A_147 = arith.constant 8191 : i32
      %min3A_148 = vector.broadcast %min3A_147 : i32 to vector<16xi32>
      %min3A_149 = arith.minsi %max3A_146, %min3A_148 : vector<16xi32>
      %swap3A_150 = arith.index_cast %mul3A_140 : i32 to index
      %swap3A_151 = tpu.vector_load %arg5[%swap3A_150] {strides = array<i32>} : memref<1024xi32, #tpu.memory_space<vmem>>, vector<16xi32>,
      %swap3A_152 = vector.shape_cast %swap3A_151 : vector<16xi32> to vector<16xi32>
      %swap3A_153 = vector.shape_cast %min3A_149 : vector<16xi32> to vector<16xi32>
      tpu.vector_store %arg5[%swap3A_150], %swap3A_153 {strides = array<i32>} : memref<1024xi32, #tpu.memory_space<vmem>>, vector<16xi32>,
      %scan3A_154 = arith.constant 3 : i32
      %scan3A_155 = arith.addi %scan3A_108, %scan3A_154 : i32
      %mul3A_156 = arith.constant 16 : i32
      %mul3A_157 = arith.muli %scan3A_155, %mul3A_156 : i32
      %get3A_158 = arith.index_cast %mul3A_157 : i32 to index
      %get3A_159 = tpu.vector_load %arg5[%get3A_158] {strides = array<i32>} : memref<1024xi32, #tpu.memory_space<vmem>>, vector<16xi32>,
      %get3A_160 = vector.shape_cast %get3A_159 : vector<16xi32> to vector<16xi32>
      %max3A_161 = arith.constant 0 : i32
      %max3A_162 = vector.broadcast %max3A_161 : i32 to vector<16xi32>
      %max3A_163 = arith.maxsi %get3A_160, %max3A_162 : vector<16xi32>
      %min3A_164 = arith.constant 8191 : i32
      %min3A_165 = vector.broadcast %min3A_164 : i32 to vector<16xi32>
      %min3A_166 = arith.minsi %max3A_163, %min3A_165 : vector<16xi32>
      %swap3A_167 = arith.index_cast %mul3A_157 : i32 to index
      %swap3A_168 = tpu.vector_load %arg5[%swap3A_167] {strides = array<i32>} : memref<1024xi32, #tpu.memory_space<vmem>>, vector<16xi32>,
      %swap3A_169 = vector.shape_cast %swap3A_168 : vector<16xi32> to vector<16xi32>
      %swap3A_170 = vector.shape_cast %min3A_166 : vector<16xi32> to vector<16xi32>
      tpu.vector_store %arg5[%swap3A_167], %swap3A_170 {strides = array<i32>} : memref<1024xi32, #tpu.memory_space<vmem>>, vector<16xi32>,
    }
    %scan3A_7 = arith.constant 64 : i32
    %dma_start3A = arith.constant 0 : i32
    %dma_start3A_8 = arith.constant 0 : i32
    %dma_start3A_9 = arith.constant 0 : i32
    %dma_start3A_10 = tpu.memref_slice %arg6[%dma_start3A_8, %dma_start3A_9] : memref<64x1024xf32, #tpu.memory_space<vmem>> -> memref<8x1024xf32, #tpu.memory_space<vmem>>
    %dma_start3A_11 = arith.constant 0 : i32
    %dma_start3A_12 = tpu.memref_slice %arg5[%dma_start3A_11] : memref<1024xi32, #tpu.memory_space<vmem>> -> memref<8xi32, #tpu.memory_space<vmem>>
    %dma_start3A_13 = arith.constant 0 : i32
    %dma_start3A_14 = arith.constant 0 : i32
    %dma_start3A_15 = tpu.memref_slice %arg3[%dma_start3A_13, %dma_start3A_14] : memref<8192x1024xf32, #tpu.memory_space<hbm>> -> memref<8192x1024xf32, #tpu.memory_space<hbm>>
    %dma_start3A_16 = tpu.memref_slice %arg7[%dma_start3A] : memref<8x!tpu.dma_semaphore, #tpu.memory_space<semaphore_mem>> -> memref<1x!tpu.dma_semaphore, #tpu.memory_space<semaphore_mem>>
    %dma_start3A_17 = tpu.memref_squeeze %dma_start3A_16 : memref<1x!tpu.dma_semaphore, #tpu.memory_space<semaphore_mem>> -> memref<!tpu.dma_semaphore, #tpu.memory_space<semaphore_mem>>
    tpu.enqueue_indirect_dma source(%dma_start3A_15 : memref<8192x1024xf32, #tpu.memory_space<hbm>>) target(%dma_start3A_10 : memref<8x1024xf32, #tpu.memory_space<vmem>>) offsets(%dma_start3A_12 : memref<8xi32, #tpu.memory_space<vmem>>) semaphore(%dma_start3A_17 : memref<!tpu.dma_semaphore, #tpu.memory_space<semaphore_mem>>)
    %dma_start3A_18 = arith.constant 1 : i32
    %dma_start3A_19 = arith.constant 8 : i32
    %dma_start3A_20 = arith.constant 0 : i32
    %dma_start3A_21 = tpu.memref_slice %arg6[%dma_start3A_19, %dma_start3A_20] : memref<64x1024xf32, #tpu.memory_space<vmem>> -> memref<8x1024xf32, #tpu.memory_space<vmem>>
    %dma_start3A_22 = arith.constant 8 : i32
    %dma_start3A_23 = tpu.memref_slice %arg5[%dma_start3A_22] : memref<1024xi32, #tpu.memory_space<vmem>> -> memref<8xi32, #tpu.memory_space<vmem>>
    %dma_start3A_24 = arith.constant 0 : i32
    %dma_start3A_25 = arith.constant 0 : i32
    %dma_start3A_26 = tpu.memref_slice %arg3[%dma_start3A_24, %dma_start3A_25] : memref<8192x1024xf32, #tpu.memory_space<hbm>> -> memref<8192x1024xf32, #tpu.memory_space<hbm>>
    %dma_start3A_27 = tpu.memref_slice %arg7[%dma_start3A_18] : memref<8x!tpu.dma_semaphore, #tpu.memory_space<semaphore_mem>> -> memref<1x!tpu.dma_semaphore, #tpu.memory_space<semaphore_mem>>
    %dma_start3A_28 = tpu.memref_squeeze %dma_start3A_27 : memref<1x!tpu.dma_semaphore, #tpu.memory_space<semaphore_mem>> -> memref<!tpu.dma_semaphore, #tpu.memory_space<semaphore_mem>>
    tpu.enqueue_indirect_dma source(%dma_start3A_26 : memref<8192x1024xf32, #tpu.memory_space<hbm>>) target(%dma_start3A_21 : memref<8x1024xf32, #tpu.memory_space<vmem>>) offsets(%dma_start3A_23 : memref<8xi32, #tpu.memory_space<vmem>>) semaphore(%dma_start3A_28 : memref<!tpu.dma_semaphore, #tpu.memory_space<semaphore_mem>>)
    %dma_start3A_29 = arith.constant 2 : i32
    %dma_start3A_30 = arith.constant 16 : i32
    %dma_start3A_31 = arith.constant 0 : i32
    %dma_start3A_32 = tpu.memref_slice %arg6[%dma_start3A_30, %dma_start3A_31] : memref<64x1024xf32, #tpu.memory_space<vmem>> -> memref<8x1024xf32, #tpu.memory_space<vmem>>
    %dma_start3A_33 = arith.constant 16 : i32
    %dma_start3A_34 = tpu.memref_slice %arg5[%dma_start3A_33] : memref<1024xi32, #tpu.memory_space<vmem>> -> memref<8xi32, #tpu.memory_space<vmem>>
    %dma_start3A_35 = arith.constant 0 : i32
    %dma_start3A_36 = arith.constant 0 : i32
    %dma_start3A_37 = tpu.memref_slice %arg3[%dma_start3A_35, %dma_start3A_36] : memref<8192x1024xf32, #tpu.memory_space<hbm>> -> memref<8192x1024xf32, #tpu.memory_space<hbm>>
    %dma_start3A_38 = tpu.memref_slice %arg7[%dma_start3A_29] : memref<8x!tpu.dma_semaphore, #tpu.memory_space<semaphore_mem>> -> memref<1x!tpu.dma_semaphore, #tpu.memory_space<semaphore_mem>>
    %dma_start3A_39 = tpu.memref_squeeze %dma_start3A_38 : memref<1x!tpu.dma_semaphore, #tpu.memory_space<semaphore_mem>> -> memref<!tpu.dma_semaphore, #tpu.memory_space<semaphore_mem>>
    tpu.enqueue_indirect_dma source(%dma_start3A_37 : memref<8192x1024xf32, #tpu.memory_space<hbm>>) target(%dma_start3A_32 : memref<8x1024xf32, #tpu.memory_space<vmem>>) offsets(%dma_start3A_34 : memref<8xi32, #tpu.memory_space<vmem>>) semaphore(%dma_start3A_39 : memref<!tpu.dma_semaphore, #tpu.memory_space<semaphore_mem>>)
    %dma_start3A_40 = arith.constant 3 : i32
    %dma_start3A_41 = arith.constant 24 : i32
    %dma_start3A_42 = arith.constant 0 : i32
    %dma_start3A_43 = tpu.memref_slice %arg6[%dma_start3A_41, %dma_start3A_42] : memref<64x1024xf32, #tpu.memory_space<vmem>> -> memref<8x1024xf32, #tpu.memory_space<vmem>>
    %dma_start3A_44 = arith.constant 24 : i32
    %dma_start3A_45 = tpu.memref_slice %arg5[%dma_start3A_44] : memref<1024xi32, #tpu.memory_space<vmem>> -> memref<8xi32, #tpu.memory_space<vmem>>
    %dma_start3A_46 = arith.constant 0 : i32
    %dma_start3A_47 = arith.constant 0 : i32
    %dma_start3A_48 = tpu.memref_slice %arg3[%dma_start3A_46, %dma_start3A_47] : memref<8192x1024xf32, #tpu.memory_space<hbm>> -> memref<8192x1024xf32, #tpu.memory_space<hbm>>
    %dma_start3A_49 = tpu.memref_slice %arg7[%dma_start3A_40] : memref<8x!tpu.dma_semaphore, #tpu.memory_space<semaphore_mem>> -> memref<1x!tpu.dma_semaphore, #tpu.memory_space<semaphore_mem>>
    %dma_start3A_50 = tpu.memref_squeeze %dma_start3A_49 : memref<1x!tpu.dma_semaphore, #tpu.memory_space<semaphore_mem>> -> memref<!tpu.dma_semaphore, #tpu.memory_space<semaphore_mem>>
    tpu.enqueue_indirect_dma source(%dma_start3A_48 : memref<8192x1024xf32, #tpu.memory_space<hbm>>) target(%dma_start3A_43 : memref<8x1024xf32, #tpu.memory_space<vmem>>) offsets(%dma_start3A_45 : memref<8xi32, #tpu.memory_space<vmem>>) semaphore(%dma_start3A_50 : memref<!tpu.dma_semaphore, #tpu.memory_space<semaphore_mem>>)
    %scan3A_51 = arith.constant 0 : i32
    %scan3A_52 = arith.constant 0 : i32
    %scan3A_53 = arith.constant 16 : i32
    %scan3A_54 = arith.addi %scan3A_52, %scan3A_53 : i32
    %scan3A_55 = arith.constant 1 : i32
    scf.for %scan3A_108 = %scan3A_52 to %scan3A_54 step %scan3A_55  : i32 {
      %mul3A_109 = arith.constant 8 : i32
      %mul3A_110 = arith.muli %scan3A_108, %mul3A_109 : i32
      %add3A_111 = arith.constant 0 : i32
      %add3A_112 = arith.addi %mul3A_110, %add3A_111 : i32
      %dma_wait3A_113 = arith.constant 0 : i32
      %dma_wait3A_114 = arith.constant 0 : i32
      %dma_wait3A_115 = arith.constant 0 : i32
      %dma_wait3A_116 = tpu.memref_slice %arg6[%dma_wait3A_114, %dma_wait3A_115] : memref<64x1024xf32, #tpu.memory_space<vmem>> -> memref<8x1024xf32, #tpu.memory_space<vmem>>
      %dma_wait3A_117 = arith.constant 0 : i32
      %dma_wait3A_118 = tpu.memref_slice %arg5[%dma_wait3A_117] : memref<1024xi32, #tpu.memory_space<vmem>> -> memref<8xi32, #tpu.memory_space<vmem>>
      %dma_wait3A_119 = arith.constant 0 : i32
      %dma_wait3A_120 = arith.constant 0 : i32
      %dma_wait3A_121 = tpu.memref_slice %arg3[%dma_wait3A_119, %dma_wait3A_120] : memref<8192x1024xf32, #tpu.memory_space<hbm>> -> memref<8192x1024xf32, #tpu.memory_space<hbm>>
      %dma_wait3A_122 = tpu.memref_slice %arg7[%dma_wait3A_113] : memref<8x!tpu.dma_semaphore, #tpu.memory_space<semaphore_mem>> -> memref<1x!tpu.dma_semaphore, #tpu.memory_space<semaphore_mem>>
      %dma_wait3A_123 = tpu.memref_squeeze %dma_wait3A_122 : memref<1x!tpu.dma_semaphore, #tpu.memory_space<semaphore_mem>> -> memref<!tpu.dma_semaphore, #tpu.memory_space<semaphore_mem>>
      tpu.wait_indirect_dma semaphore(%dma_wait3A_123 : memref<!tpu.dma_semaphore, #tpu.memory_space<semaphore_mem>>) src(%dma_wait3A_121 : memref<8192x1024xf32, #tpu.memory_space<hbm>>) dst(%dma_wait3A_116 : memref<8x1024xf32, #tpu.memory_space<vmem>>)
      %add3A_124 = arith.constant 4 : i32
      %add3A_125 = arith.addi %add3A_112, %add3A_124 : i32
      %sub3A = arith.constant 8 : i32
      %sub3A_126 = arith.subi %add3A_125, %sub3A : i32
      %ge3A = arith.constant 0 : i32
      %ge3A_127 = arith.cmpi sge, %sub3A_126, %ge3A : i32
      %convert_element_type3A = arith.extui %ge3A_127 : i1 to i32
      %cond3A = arith.constant 0 : i32
      %cond3A_128 = arith.cmpi ne, %convert_element_type3A, %cond3A : i32
      scf.if %cond3A_128 {
        %dma_wait3A_480 = arith.constant 4 : i32
        %dma_wait3A_481 = arith.constant 32 : i32
        %dma_wait3A_482 = arith.constant 0 : i32
        %dma_wait3A_483 = tpu.memref_slice %arg6[%dma_wait3A_481, %dma_wait3A_482] : memref<64x1024xf32, #tpu.memory_space<vmem>> -> memref<8x1024xf32, #tpu.memory_space<vmem>>
        %dma_wait3A_484 = arith.constant 0 : i32
        %dma_wait3A_485 = tpu.memref_slice %arg4[%mul3A_2, %dma_wait3A_484] : memref<32768x1024xf32, #tpu.memory_space<hbm>> -> memref<8x1024xf32, #tpu.memory_space<hbm>>
        %dma_wait3A_486 = tpu.memref_slice %arg8[%dma_wait3A_480] : memref<8x!tpu.dma_semaphore, #tpu.memory_space<semaphore_mem>> -> memref<1x!tpu.dma_semaphore, #tpu.memory_space<semaphore_mem>>
        %dma_wait3A_487 = tpu.memref_squeeze %dma_wait3A_486 : memref<1x!tpu.dma_semaphore, #tpu.memory_space<semaphore_mem>> -> memref<!tpu.dma_semaphore, #tpu.memory_space<semaphore_mem>>
        %dma_wait3A_488 = arith.constant 0 : i32
        %dma_wait3A_489 = tpu.memref_slice %arg4[%mul3A_2, %dma_wait3A_488] : memref<32768x1024xf32, #tpu.memory_space<hbm>> -> memref<8x1024xf32, #tpu.memory_space<hbm>>
        %dma_wait3A_490 = arith.constant 32 : i32
        %dma_wait3A_491 = arith.constant 0 : i32
        %dma_wait3A_492 = tpu.memref_slice %arg6[%dma_wait3A_490, %dma_wait3A_491] : memref<64x1024xf32, #tpu.memory_space<vmem>> -> memref<8x1024xf32, #tpu.memory_space<vmem>>
        tpu.wait_dma2 semaphore(%dma_wait3A_487 : memref<!tpu.dma_semaphore, #tpu.memory_space<semaphore_mem>>) src(%dma_wait3A_492 : memref<8x1024xf32, #tpu.memory_space<vmem>>) dst(%dma_wait3A_489 : memref<8x1024xf32, #tpu.memory_space<hbm>>)
      } else {
      }
      %add3A_129 = arith.constant 4 : i32
      %add3A_130 = arith.addi %add3A_112, %add3A_129 : i32
      %lt3A = arith.constant 128 : i32
      %lt3A_131 = arith.cmpi slt, %add3A_130, %lt3A : i32
      %convert_element_type3A_132 = arith.extui %lt3A_131 : i1 to i32
      %cond3A_133 = arith.constant 0 : i32
      %cond3A_134 = arith.cmpi ne, %convert_element_type3A_132, %cond3A_133 : i32
      scf.if %cond3A_134 {
        %add3A_480 = arith.constant 4 : i32
        %add3A_481 = arith.addi %add3A_112, %add3A_480 : i32
        %mul3A_482 = arith.constant 8 : i32
        %mul3A_483 = arith.muli %add3A_481, %mul3A_482 : i32
        %dma_start3A_484 = arith.constant 4 : i32
        %dma_start3A_485 = arith.constant 32 : i32
        %dma_start3A_486 = arith.constant 0 : i32
        %dma_start3A_487 = tpu.memref_slice %arg6[%dma_start3A_485, %dma_start3A_486] : memref<64x1024xf32, #tpu.memory_space<vmem>> -> memref<8x1024xf32, #tpu.memory_space<vmem>>
        %dma_start3A_488 = tpu.memref_slice %arg5[%mul3A_483] : memref<1024xi32, #tpu.memory_space<vmem>> -> memref<8xi32, #tpu.memory_space<vmem>>
        %dma_start3A_489 = arith.constant 0 : i32
        %dma_start3A_490 = arith.constant 0 : i32
        %dma_start3A_491 = tpu.memref_slice %arg3[%dma_start3A_489, %dma_start3A_490] : memref<8192x1024xf32, #tpu.memory_space<hbm>> -> memref<8192x1024xf32, #tpu.memory_space<hbm>>
        %dma_start3A_492 = tpu.memref_slice %arg7[%dma_start3A_484] : memref<8x!tpu.dma_semaphore, #tpu.memory_space<semaphore_mem>> -> memref<1x!tpu.dma_semaphore, #tpu.memory_space<semaphore_mem>>
        %dma_start3A_493 = tpu.memref_squeeze %dma_start3A_492 : memref<1x!tpu.dma_semaphore, #tpu.memory_space<semaphore_mem>> -> memref<!tpu.dma_semaphore, #tpu.memory_space<semaphore_mem>>
        tpu.enqueue_indirect_dma source(%dma_start3A_491 : memref<8192x1024xf32, #tpu.memory_space<hbm>>) target(%dma_start3A_487 : memref<8x1024xf32, #tpu.memory_space<vmem>>) offsets(%dma_start3A_488 : memref<8xi32, #tpu.memory_space<vmem>>) semaphore(%dma_start3A_493 : memref<!tpu.dma_semaphore, #tpu.memory_space<semaphore_mem>>)
      } else {
      }
      %mul3A_135 = arith.constant 8 : i32
      %mul3A_136 = arith.muli %add3A_112, %mul3A_135 : i32
      %add3A_137 = arith.addi %mul3A_2, %mul3A_136 : i32
      %dma_start3A_138 = arith.constant 0 : i32
      %dma_start3A_139 = arith.constant 0 : i32
      %dma_start3A_140 = arith.constant 0 : i32
      %dma_start3A_141 = tpu.memref_slice %arg6[%dma_start3A_139, %dma_start3A_140] : memref<64x1024xf32, #tpu.memory_space<vmem>> -> memref<8x1024xf32, #tpu.memory_space<vmem>>
      %dma_start3A_142 = arith.constant 0 : i32
      %dma_start3A_143 = tpu.memref_slice %arg4[%add3A_137, %dma_start3A_142] : memref<32768x1024xf32, #tpu.memory_space<hbm>> -> memref<8x1024xf32, #tpu.memory_space<hbm>>
      %dma_start3A_144 = tpu.memref_slice %arg8[%dma_start3A_138] : memref<8x!tpu.dma_semaphore, #tpu.memory_space<semaphore_mem>> -> memref<1x!tpu.dma_semaphore, #tpu.memory_space<semaphore_mem>>
      %dma_start3A_145 = tpu.memref_squeeze %dma_start3A_144 : memref<1x!tpu.dma_semaphore, #tpu.memory_space<semaphore_mem>> -> memref<!tpu.dma_semaphore, #tpu.memory_space<semaphore_mem>>
      %dma_start3A_146 = arith.constant 0 : i32
      %dma_start3A_147 = tpu.memref_slice %arg4[%add3A_137, %dma_start3A_146] : memref<32768x1024xf32, #tpu.memory_space<hbm>> -> memref<8x1024xf32, #tpu.memory_space<hbm>>
      %dma_start3A_148 = arith.constant 0 : i32
      %dma_start3A_149 = arith.constant 0 : i32
      %dma_start3A_150 = tpu.memref_slice %arg6[%dma_start3A_148, %dma_start3A_149] : memref<64x1024xf32, #tpu.memory_space<vmem>> -> memref<8x1024xf32, #tpu.memory_space<vmem>>
      tpu.enqueue_dma source(%dma_start3A_150 : memref<8x1024xf32, #tpu.memory_space<vmem>>) target(%dma_start3A_147 : memref<8x1024xf32, #tpu.memory_space<hbm>>) target_semaphore(%dma_start3A_145 : memref<!tpu.dma_semaphore, #tpu.memory_space<semaphore_mem>>)
      %mul3A_151 = arith.constant 8 : i32
      %mul3A_152 = arith.muli %scan3A_108, %mul3A_151 : i32
      %add3A_153 = arith.constant 1 : i32
      %add3A_154 = arith.addi %mul3A_152, %add3A_153 : i32
      %dma_wait3A_155 = arith.constant 1 : i32
      %dma_wait3A_156 = arith.constant 8 : i32
      %dma_wait3A_157 = arith.constant 0 : i32
      %dma_wait3A_158 = tpu.memref_slice %arg6[%dma_wait3A_156, %dma_wait3A_157] : memref<64x1024xf32, #tpu.memory_space<vmem>> -> memref<8x1024xf32, #tpu.memory_space<vmem>>
      %dma_wait3A_159 = arith.constant 0 : i32
      %dma_wait3A_160 = tpu.memref_slice %arg5[%dma_wait3A_159] : memref<1024xi32, #tpu.memory_space<vmem>> -> memref<8xi32, #tpu.memory_space<vmem>>
      %dma_wait3A_161 = arith.constant 0 : i32
      %dma_wait3A_162 = arith.constant 0 : i32
      %dma_wait3A_163 = tpu.memref_slice %arg3[%dma_wait3A_161, %dma_wait3A_162] : memref<8192x1024xf32, #tpu.memory_space<hbm>> -> memref<8192x1024xf32, #tpu.memory_space<hbm>>
      %dma_wait3A_164 = tpu.memref_slice %arg7[%dma_wait3A_155] : memref<8x!tpu.dma_semaphore, #tpu.memory_space<semaphore_mem>> -> memref<1x!tpu.dma_semaphore, #tpu.memory_space<semaphore_mem>>
      %dma_wait3A_165 = tpu.memref_squeeze %dma_wait3A_164 : memref<1x!tpu.dma_semaphore, #tpu.memory_space<semaphore_mem>> -> memref<!tpu.dma_semaphore, #tpu.memory_space<semaphore_mem>>
      tpu.wait_indirect_dma semaphore(%dma_wait3A_165 : memref<!tpu.dma_semaphore, #tpu.memory_space<semaphore_mem>>) src(%dma_wait3A_163 : memref<8192x1024xf32, #tpu.memory_space<hbm>>) dst(%dma_wait3A_158 : memref<8x1024xf32, #tpu.memory_space<vmem>>)
      %add3A_166 = arith.constant 4 : i32
      %add3A_167 = arith.addi %add3A_154, %add3A_166 : i32
      %sub3A_168 = arith.constant 8 : i32
      %sub3A_169 = arith.subi %add3A_167, %sub3A_168 : i32
      %ge3A_170 = arith.constant 0 : i32
      %ge3A_171 = arith.cmpi sge, %sub3A_169, %ge3A_170 : i32
      %convert_element_type3A_172 = arith.extui %ge3A_171 : i1 to i32
      %cond3A_173 = arith.constant 0 : i32
      %cond3A_174 = arith.cmpi ne, %convert_element_type3A_172, %cond3A_173 : i32
      scf.if %cond3A_174 {
        %dma_wait3A_480 = arith.constant 5 : i32
        %dma_wait3A_481 = arith.constant 40 : i32
        %dma_wait3A_482 = arith.constant 0 : i32
        %dma_wait3A_483 = tpu.memref_slice %arg6[%dma_wait3A_481, %dma_wait3A_482] : memref<64x1024xf32, #tpu.memory_space<vmem>> -> memref<8x1024xf32, #tpu.memory_space<vmem>>
        %dma_wait3A_484 = arith.constant 0 : i32
        %dma_wait3A_485 = tpu.memref_slice %arg4[%mul3A_2, %dma_wait3A_484] : memref<32768x1024xf32, #tpu.memory_space<hbm>> -> memref<8x1024xf32, #tpu.memory_space<hbm>>
        %dma_wait3A_486 = tpu.memref_slice %arg8[%dma_wait3A_480] : memref<8x!tpu.dma_semaphore, #tpu.memory_space<semaphore_mem>> -> memref<1x!tpu.dma_semaphore, #tpu.memory_space<semaphore_mem>>
        %dma_wait3A_487 = tpu.memref_squeeze %dma_wait3A_486 : memref<1x!tpu.dma_semaphore, #tpu.memory_space<semaphore_mem>> -> memref<!tpu.dma_semaphore, #tpu.memory_space<semaphore_mem>>
        %dma_wait3A_488 = arith.constant 0 : i32
        %dma_wait3A_489 = tpu.memref_slice %arg4[%mul3A_2, %dma_wait3A_488] : memref<32768x1024xf32, #tpu.memory_space<hbm>> -> memref<8x1024xf32, #tpu.memory_space<hbm>>
        %dma_wait3A_490 = arith.constant 40 : i32
        %dma_wait3A_491 = arith.constant 0 : i32
        %dma_wait3A_492 = tpu.memref_slice %arg6[%dma_wait3A_490, %dma_wait3A_491] : memref<64x1024xf32, #tpu.memory_space<vmem>> -> memref<8x1024xf32, #tpu.memory_space<vmem>>
        tpu.wait_dma2 semaphore(%dma_wait3A_487 : memref<!tpu.dma_semaphore, #tpu.memory_space<semaphore_mem>>) src(%dma_wait3A_492 : memref<8x1024xf32, #tpu.memory_space<vmem>>) dst(%dma_wait3A_489 : memref<8x1024xf32, #tpu.memory_space<hbm>>)
      } else {
      }
      %add3A_175 = arith.constant 4 : i32
      %add3A_176 = arith.addi %add3A_154, %add3A_175 : i32
      %lt3A_177 = arith.constant 128 : i32
      %lt3A_178 = arith.cmpi slt, %add3A_176, %lt3A_177 : i32
      %convert_element_type3A_179 = arith.extui %lt3A_178 : i1 to i32
      %cond3A_180 = arith.constant 0 : i32
      %cond3A_181 = arith.cmpi ne, %convert_element_type3A_179, %cond3A_180 : i32
      scf.if %cond3A_181 {
        %add3A_480 = arith.constant 4 : i32
        %add3A_481 = arith.addi %add3A_154, %add3A_480 : i32
        %mul3A_482 = arith.constant 8 : i32
        %mul3A_483 = arith.muli %add3A_481, %mul3A_482 : i32
        %dma_start3A_484 = arith.constant 5 : i32
        %dma_start3A_485 = arith.constant 40 : i32
        %dma_start3A_486 = arith.constant 0 : i32
        %dma_start3A_487 = tpu.memref_slice %arg6[%dma_start3A_485, %dma_start3A_486] : memref<64x1024xf32, #tpu.memory_space<vmem>> -> memref<8x1024xf32, #tpu.memory_space<vmem>>
        %dma_start3A_488 = tpu.memref_slice %arg5[%mul3A_483] : memref<1024xi32, #tpu.memory_space<vmem>> -> memref<8xi32, #tpu.memory_space<vmem>>
        %dma_start3A_489 = arith.constant 0 : i32
        %dma_start3A_490 = arith.constant 0 : i32
        %dma_start3A_491 = tpu.memref_slice %arg3[%dma_start3A_489, %dma_start3A_490] : memref<8192x1024xf32, #tpu.memory_space<hbm>> -> memref<8192x1024xf32, #tpu.memory_space<hbm>>
        %dma_start3A_492 = tpu.memref_slice %arg7[%dma_start3A_484] : memref<8x!tpu.dma_semaphore, #tpu.memory_space<semaphore_mem>> -> memref<1x!tpu.dma_semaphore, #tpu.memory_space<semaphore_mem>>
        %dma_start3A_493 = tpu.memref_squeeze %dma_start3A_492 : memref<1x!tpu.dma_semaphore, #tpu.memory_space<semaphore_mem>> -> memref<!tpu.dma_semaphore, #tpu.memory_space<semaphore_mem>>
        tpu.enqueue_indirect_dma source(%dma_start3A_491 : memref<8192x1024xf32, #tpu.memory_space<hbm>>) target(%dma_start3A_487 : memref<8x1024xf32, #tpu.memory_space<vmem>>) offsets(%dma_start3A_488 : memref<8xi32, #tpu.memory_space<vmem>>) semaphore(%dma_start3A_493 : memref<!tpu.dma_semaphore, #tpu.memory_space<semaphore_mem>>)
      } else {
      }
      %mul3A_182 = arith.constant 8 : i32
      %mul3A_183 = arith.muli %add3A_154, %mul3A_182 : i32
      %add3A_184 = arith.addi %mul3A_2, %mul3A_183 : i32
      %dma_start3A_185 = arith.constant 1 : i32
      %dma_start3A_186 = arith.constant 8 : i32
      %dma_start3A_187 = arith.constant 0 : i32
      %dma_start3A_188 = tpu.memref_slice %arg6[%dma_start3A_186, %dma_start3A_187] : memref<64x1024xf32, #tpu.memory_space<vmem>> -> memref<8x1024xf32, #tpu.memory_space<vmem>>
      %dma_start3A_189 = arith.constant 0 : i32
      %dma_start3A_190 = tpu.memref_slice %arg4[%add3A_184, %dma_start3A_189] : memref<32768x1024xf32, #tpu.memory_space<hbm>> -> memref<8x1024xf32, #tpu.memory_space<hbm>>
      %dma_start3A_191 = tpu.memref_slice %arg8[%dma_start3A_185] : memref<8x!tpu.dma_semaphore, #tpu.memory_space<semaphore_mem>> -> memref<1x!tpu.dma_semaphore, #tpu.memory_space<semaphore_mem>>
      %dma_start3A_192 = tpu.memref_squeeze %dma_start3A_191 : memref<1x!tpu.dma_semaphore, #tpu.memory_space<semaphore_mem>> -> memref<!tpu.dma_semaphore, #tpu.memory_space<semaphore_mem>>
      %dma_start3A_193 = arith.constant 0 : i32
      %dma_start3A_194 = tpu.memref_slice %arg4[%add3A_184, %dma_start3A_193] : memref<32768x1024xf32, #tpu.memory_space<hbm>> -> memref<8x1024xf32, #tpu.memory_space<hbm>>
      %dma_start3A_195 = arith.constant 8 : i32
      %dma_start3A_196 = arith.constant 0 : i32
      %dma_start3A_197 = tpu.memref_slice %arg6[%dma_start3A_195, %dma_start3A_196] : memref<64x1024xf32, #tpu.memory_space<vmem>> -> memref<8x1024xf32, #tpu.memory_space<vmem>>
      tpu.enqueue_dma source(%dma_start3A_197 : memref<8x1024xf32, #tpu.memory_space<vmem>>) target(%dma_start3A_194 : memref<8x1024xf32, #tpu.memory_space<hbm>>) target_semaphore(%dma_start3A_192 : memref<!tpu.dma_semaphore, #tpu.memory_space<semaphore_mem>>)
      %mul3A_198 = arith.constant 8 : i32
      %mul3A_199 = arith.muli %scan3A_108, %mul3A_198 : i32
      %add3A_200 = arith.constant 2 : i32
      %add3A_201 = arith.addi %mul3A_199, %add3A_200 : i32
      %dma_wait3A_202 = arith.constant 2 : i32
      %dma_wait3A_203 = arith.constant 16 : i32
      %dma_wait3A_204 = arith.constant 0 : i32
      %dma_wait3A_205 = tpu.memref_slice %arg6[%dma_wait3A_203, %dma_wait3A_204] : memref<64x1024xf32, #tpu.memory_space<vmem>> -> memref<8x1024xf32, #tpu.memory_space<vmem>>
      %dma_wait3A_206 = arith.constant 0 : i32
      %dma_wait3A_207 = tpu.memref_slice %arg5[%dma_wait3A_206] : memref<1024xi32, #tpu.memory_space<vmem>> -> memref<8xi32, #tpu.memory_space<vmem>>
      %dma_wait3A_208 = arith.constant 0 : i32
      %dma_wait3A_209 = arith.constant 0 : i32
      %dma_wait3A_210 = tpu.memref_slice %arg3[%dma_wait3A_208, %dma_wait3A_209] : memref<8192x1024xf32, #tpu.memory_space<hbm>> -> memref<8192x1024xf32, #tpu.memory_space<hbm>>
      %dma_wait3A_211 = tpu.memref_slice %arg7[%dma_wait3A_202] : memref<8x!tpu.dma_semaphore, #tpu.memory_space<semaphore_mem>> -> memref<1x!tpu.dma_semaphore, #tpu.memory_space<semaphore_mem>>
      %dma_wait3A_212 = tpu.memref_squeeze %dma_wait3A_211 : memref<1x!tpu.dma_semaphore, #tpu.memory_space<semaphore_mem>> -> memref<!tpu.dma_semaphore, #tpu.memory_space<semaphore_mem>>
      tpu.wait_indirect_dma semaphore(%dma_wait3A_212 : memref<!tpu.dma_semaphore, #tpu.memory_space<semaphore_mem>>) src(%dma_wait3A_210 : memref<8192x1024xf32, #tpu.memory_space<hbm>>) dst(%dma_wait3A_205 : memref<8x1024xf32, #tpu.memory_space<vmem>>)
      %add3A_213 = arith.constant 4 : i32
      %add3A_214 = arith.addi %add3A_201, %add3A_213 : i32
      %sub3A_215 = arith.constant 8 : i32
      %sub3A_216 = arith.subi %add3A_214, %sub3A_215 : i32
      %ge3A_217 = arith.constant 0 : i32
      %ge3A_218 = arith.cmpi sge, %sub3A_216, %ge3A_217 : i32
      %convert_element_type3A_219 = arith.extui %ge3A_218 : i1 to i32
      %cond3A_220 = arith.constant 0 : i32
      %cond3A_221 = arith.cmpi ne, %convert_element_type3A_219, %cond3A_220 : i32
      scf.if %cond3A_221 {
        %dma_wait3A_480 = arith.constant 6 : i32
        %dma_wait3A_481 = arith.constant 48 : i32
        %dma_wait3A_482 = arith.constant 0 : i32
        %dma_wait3A_483 = tpu.memref_slice %arg6[%dma_wait3A_481, %dma_wait3A_482] : memref<64x1024xf32, #tpu.memory_space<vmem>> -> memref<8x1024xf32, #tpu.memory_space<vmem>>
        %dma_wait3A_484 = arith.constant 0 : i32
        %dma_wait3A_485 = tpu.memref_slice %arg4[%mul3A_2, %dma_wait3A_484] : memref<32768x1024xf32, #tpu.memory_space<hbm>> -> memref<8x1024xf32, #tpu.memory_space<hbm>>
        %dma_wait3A_486 = tpu.memref_slice %arg8[%dma_wait3A_480] : memref<8x!tpu.dma_semaphore, #tpu.memory_space<semaphore_mem>> -> memref<1x!tpu.dma_semaphore, #tpu.memory_space<semaphore_mem>>
        %dma_wait3A_487 = tpu.memref_squeeze %dma_wait3A_486 : memref<1x!tpu.dma_semaphore, #tpu.memory_space<semaphore_mem>> -> memref<!tpu.dma_semaphore, #tpu.memory_space<semaphore_mem>>
        %dma_wait3A_488 = arith.constant 0 : i32
        %dma_wait3A_489 = tpu.memref_slice %arg4[%mul3A_2, %dma_wait3A_488] : memref<32768x1024xf32, #tpu.memory_space<hbm>> -> memref<8x1024xf32, #tpu.memory_space<hbm>>
        %dma_wait3A_490 = arith.constant 48 : i32
        %dma_wait3A_491 = arith.constant 0 : i32
        %dma_wait3A_492 = tpu.memref_slice %arg6[%dma_wait3A_490, %dma_wait3A_491] : memref<64x1024xf32, #tpu.memory_space<vmem>> -> memref<8x1024xf32, #tpu.memory_space<vmem>>
        tpu.wait_dma2 semaphore(%dma_wait3A_487 : memref<!tpu.dma_semaphore, #tpu.memory_space<semaphore_mem>>) src(%dma_wait3A_492 : memref<8x1024xf32, #tpu.memory_space<vmem>>) dst(%dma_wait3A_489 : memref<8x1024xf32, #tpu.memory_space<hbm>>)
      } else {
      }
      %add3A_222 = arith.constant 4 : i32
      %add3A_223 = arith.addi %add3A_201, %add3A_222 : i32
      %lt3A_224 = arith.constant 128 : i32
      %lt3A_225 = arith.cmpi slt, %add3A_223, %lt3A_224 : i32
      %convert_element_type3A_226 = arith.extui %lt3A_225 : i1 to i32
      %cond3A_227 = arith.constant 0 : i32
      %cond3A_228 = arith.cmpi ne, %convert_element_type3A_226, %cond3A_227 : i32
      scf.if %cond3A_228 {
        %add3A_480 = arith.constant 4 : i32
        %add3A_481 = arith.addi %add3A_201, %add3A_480 : i32
        %mul3A_482 = arith.constant 8 : i32
        %mul3A_483 = arith.muli %add3A_481, %mul3A_482 : i32
        %dma_start3A_484 = arith.constant 6 : i32
        %dma_start3A_485 = arith.constant 48 : i32
        %dma_start3A_486 = arith.constant 0 : i32
        %dma_start3A_487 = tpu.memref_slice %arg6[%dma_start3A_485, %dma_start3A_486] : memref<64x1024xf32, #tpu.memory_space<vmem>> -> memref<8x1024xf32, #tpu.memory_space<vmem>>
        %dma_start3A_488 = tpu.memref_slice %arg5[%mul3A_483] : memref<1024xi32, #tpu.memory_space<vmem>> -> memref<8xi32, #tpu.memory_space<vmem>>
        %dma_start3A_489 = arith.constant 0 : i32
        %dma_start3A_490 = arith.constant 0 : i32
        %dma_start3A_491 = tpu.memref_slice %arg3[%dma_start3A_489, %dma_start3A_490] : memref<8192x1024xf32, #tpu.memory_space<hbm>> -> memref<8192x1024xf32, #tpu.memory_space<hbm>>
        %dma_start3A_492 = tpu.memref_slice %arg7[%dma_start3A_484] : memref<8x!tpu.dma_semaphore, #tpu.memory_space<semaphore_mem>> -> memref<1x!tpu.dma_semaphore, #tpu.memory_space<semaphore_mem>>
        %dma_start3A_493 = tpu.memref_squeeze %dma_start3A_492 : memref<1x!tpu.dma_semaphore, #tpu.memory_space<semaphore_mem>> -> memref<!tpu.dma_semaphore, #tpu.memory_space<semaphore_mem>>
        tpu.enqueue_indirect_dma source(%dma_start3A_491 : memref<8192x1024xf32, #tpu.memory_space<hbm>>) target(%dma_start3A_487 : memref<8x1024xf32, #tpu.memory_space<vmem>>) offsets(%dma_start3A_488 : memref<8xi32, #tpu.memory_space<vmem>>) semaphore(%dma_start3A_493 : memref<!tpu.dma_semaphore, #tpu.memory_space<semaphore_mem>>)
      } else {
      }
      %mul3A_229 = arith.constant 8 : i32
      %mul3A_230 = arith.muli %add3A_201, %mul3A_229 : i32
      %add3A_231 = arith.addi %mul3A_2, %mul3A_230 : i32
      %dma_start3A_232 = arith.constant 2 : i32
      %dma_start3A_233 = arith.constant 16 : i32
      %dma_start3A_234 = arith.constant 0 : i32
      %dma_start3A_235 = tpu.memref_slice %arg6[%dma_start3A_233, %dma_start3A_234] : memref<64x1024xf32, #tpu.memory_space<vmem>> -> memref<8x1024xf32, #tpu.memory_space<vmem>>
      %dma_start3A_236 = arith.constant 0 : i32
      %dma_start3A_237 = tpu.memref_slice %arg4[%add3A_231, %dma_start3A_236] : memref<32768x1024xf32, #tpu.memory_space<hbm>> -> memref<8x1024xf32, #tpu.memory_space<hbm>>
      %dma_start3A_238 = tpu.memref_slice %arg8[%dma_start3A_232] : memref<8x!tpu.dma_semaphore, #tpu.memory_space<semaphore_mem>> -> memref<1x!tpu.dma_semaphore, #tpu.memory_space<semaphore_mem>>
      %dma_start3A_239 = tpu.memref_squeeze %dma_start3A_238 : memref<1x!tpu.dma_semaphore, #tpu.memory_space<semaphore_mem>> -> memref<!tpu.dma_semaphore, #tpu.memory_space<semaphore_mem>>
      %dma_start3A_240 = arith.constant 0 : i32
      %dma_start3A_241 = tpu.memref_slice %arg4[%add3A_231, %dma_start3A_240] : memref<32768x1024xf32, #tpu.memory_space<hbm>> -> memref<8x1024xf32, #tpu.memory_space<hbm>>
      %dma_start3A_242 = arith.constant 16 : i32
      %dma_start3A_243 = arith.constant 0 : i32
      %dma_start3A_244 = tpu.memref_slice %arg6[%dma_start3A_242, %dma_start3A_243] : memref<64x1024xf32, #tpu.memory_space<vmem>> -> memref<8x1024xf32, #tpu.memory_space<vmem>>
      tpu.enqueue_dma source(%dma_start3A_244 : memref<8x1024xf32, #tpu.memory_space<vmem>>) target(%dma_start3A_241 : memref<8x1024xf32, #tpu.memory_space<hbm>>) target_semaphore(%dma_start3A_239 : memref<!tpu.dma_semaphore, #tpu.memory_space<semaphore_mem>>)
      %mul3A_245 = arith.constant 8 : i32
      %mul3A_246 = arith.muli %scan3A_108, %mul3A_245 : i32
      %add3A_247 = arith.constant 3 : i32
      %add3A_248 = arith.addi %mul3A_246, %add3A_247 : i32
      %dma_wait3A_249 = arith.constant 3 : i32
      %dma_wait3A_250 = arith.constant 24 : i32
      %dma_wait3A_251 = arith.constant 0 : i32
      %dma_wait3A_252 = tpu.memref_slice %arg6[%dma_wait3A_250, %dma_wait3A_251] : memref<64x1024xf32, #tpu.memory_space<vmem>> -> memref<8x1024xf32, #tpu.memory_space<vmem>>
      %dma_wait3A_253 = arith.constant 0 : i32
      %dma_wait3A_254 = tpu.memref_slice %arg5[%dma_wait3A_253] : memref<1024xi32, #tpu.memory_space<vmem>> -> memref<8xi32, #tpu.memory_space<vmem>>
      %dma_wait3A_255 = arith.constant 0 : i32
      %dma_wait3A_256 = arith.constant 0 : i32
      %dma_wait3A_257 = tpu.memref_slice %arg3[%dma_wait3A_255, %dma_wait3A_256] : memref<8192x1024xf32, #tpu.memory_space<hbm>> -> memref<8192x1024xf32, #tpu.memory_space<hbm>>
      %dma_wait3A_258 = tpu.memref_slice %arg7[%dma_wait3A_249] : memref<8x!tpu.dma_semaphore, #tpu.memory_space<semaphore_mem>> -> memref<1x!tpu.dma_semaphore, #tpu.memory_space<semaphore_mem>>
      %dma_wait3A_259 = tpu.memref_squeeze %dma_wait3A_258 : memref<1x!tpu.dma_semaphore, #tpu.memory_space<semaphore_mem>> -> memref<!tpu.dma_semaphore, #tpu.memory_space<semaphore_mem>>
      tpu.wait_indirect_dma semaphore(%dma_wait3A_259 : memref<!tpu.dma_semaphore, #tpu.memory_space<semaphore_mem>>) src(%dma_wait3A_257 : memref<8192x1024xf32, #tpu.memory_space<hbm>>) dst(%dma_wait3A_252 : memref<8x1024xf32, #tpu.memory_space<vmem>>)
      %add3A_260 = arith.constant 4 : i32
      %add3A_261 = arith.addi %add3A_248, %add3A_260 : i32
      %sub3A_262 = arith.constant 8 : i32
      %sub3A_263 = arith.subi %add3A_261, %sub3A_262 : i32
      %ge3A_264 = arith.constant 0 : i32
      %ge3A_265 = arith.cmpi sge, %sub3A_263, %ge3A_264 : i32
      %convert_element_type3A_266 = arith.extui %ge3A_265 : i1 to i32
      %cond3A_267 = arith.constant 0 : i32
      %cond3A_268 = arith.cmpi ne, %convert_element_type3A_266, %cond3A_267 : i32
      scf.if %cond3A_268 {
        %dma_wait3A_480 = arith.constant 7 : i32
        %dma_wait3A_481 = arith.constant 56 : i32
        %dma_wait3A_482 = arith.constant 0 : i32
        %dma_wait3A_483 = tpu.memref_slice %arg6[%dma_wait3A_481, %dma_wait3A_482] : memref<64x1024xf32, #tpu.memory_space<vmem>> -> memref<8x1024xf32, #tpu.memory_space<vmem>>
        %dma_wait3A_484 = arith.constant 0 : i32
        %dma_wait3A_485 = tpu.memref_slice %arg4[%mul3A_2, %dma_wait3A_484] : memref<32768x1024xf32, #tpu.memory_space<hbm>> -> memref<8x1024xf32, #tpu.memory_space<hbm>>
        %dma_wait3A_486 = tpu.memref_slice %arg8[%dma_wait3A_480] : memref<8x!tpu.dma_semaphore, #tpu.memory_space<semaphore_mem>> -> memref<1x!tpu.dma_semaphore, #tpu.memory_space<semaphore_mem>>
        %dma_wait3A_487 = tpu.memref_squeeze %dma_wait3A_486 : memref<1x!tpu.dma_semaphore, #tpu.memory_space<semaphore_mem>> -> memref<!tpu.dma_semaphore, #tpu.memory_space<semaphore_mem>>
        %dma_wait3A_488 = arith.constant 0 : i32
        %dma_wait3A_489 = tpu.memref_slice %arg4[%mul3A_2, %dma_wait3A_488] : memref<32768x1024xf32, #tpu.memory_space<hbm>> -> memref<8x1024xf32, #tpu.memory_space<hbm>>
        %dma_wait3A_490 = arith.constant 56 : i32
        %dma_wait3A_491 = arith.constant 0 : i32
        %dma_wait3A_492 = tpu.memref_slice %arg6[%dma_wait3A_490, %dma_wait3A_491] : memref<64x1024xf32, #tpu.memory_space<vmem>> -> memref<8x1024xf32, #tpu.memory_space<vmem>>
        tpu.wait_dma2 semaphore(%dma_wait3A_487 : memref<!tpu.dma_semaphore, #tpu.memory_space<semaphore_mem>>) src(%dma_wait3A_492 : memref<8x1024xf32, #tpu.memory_space<vmem>>) dst(%dma_wait3A_489 : memref<8x1024xf32, #tpu.memory_space<hbm>>)
      } else {
      }
      %add3A_269 = arith.constant 4 : i32
      %add3A_270 = arith.addi %add3A_248, %add3A_269 : i32
      %lt3A_271 = arith.constant 128 : i32
      %lt3A_272 = arith.cmpi slt, %add3A_270, %lt3A_271 : i32
      %convert_element_type3A_273 = arith.extui %lt3A_272 : i1 to i32
      %cond3A_274 = arith.constant 0 : i32
      %cond3A_275 = arith.cmpi ne, %convert_element_type3A_273, %cond3A_274 : i32
      scf.if %cond3A_275 {
        %add3A_480 = arith.constant 4 : i32
        %add3A_481 = arith.addi %add3A_248, %add3A_480 : i32
        %mul3A_482 = arith.constant 8 : i32
        %mul3A_483 = arith.muli %add3A_481, %mul3A_482 : i32
        %dma_start3A_484 = arith.constant 7 : i32
        %dma_start3A_485 = arith.constant 56 : i32
        %dma_start3A_486 = arith.constant 0 : i32
        %dma_start3A_487 = tpu.memref_slice %arg6[%dma_start3A_485, %dma_start3A_486] : memref<64x1024xf32, #tpu.memory_space<vmem>> -> memref<8x1024xf32, #tpu.memory_space<vmem>>
        %dma_start3A_488 = tpu.memref_slice %arg5[%mul3A_483] : memref<1024xi32, #tpu.memory_space<vmem>> -> memref<8xi32, #tpu.memory_space<vmem>>
        %dma_start3A_489 = arith.constant 0 : i32
        %dma_start3A_490 = arith.constant 0 : i32
        %dma_start3A_491 = tpu.memref_slice %arg3[%dma_start3A_489, %dma_start3A_490] : memref<8192x1024xf32, #tpu.memory_space<hbm>> -> memref<8192x1024xf32, #tpu.memory_space<hbm>>
        %dma_start3A_492 = tpu.memref_slice %arg7[%dma_start3A_484] : memref<8x!tpu.dma_semaphore, #tpu.memory_space<semaphore_mem>> -> memref<1x!tpu.dma_semaphore, #tpu.memory_space<semaphore_mem>>
        %dma_start3A_493 = tpu.memref_squeeze %dma_start3A_492 : memref<1x!tpu.dma_semaphore, #tpu.memory_space<semaphore_mem>> -> memref<!tpu.dma_semaphore, #tpu.memory_space<semaphore_mem>>
        tpu.enqueue_indirect_dma source(%dma_start3A_491 : memref<8192x1024xf32, #tpu.memory_space<hbm>>) target(%dma_start3A_487 : memref<8x1024xf32, #tpu.memory_space<vmem>>) offsets(%dma_start3A_488 : memref<8xi32, #tpu.memory_space<vmem>>) semaphore(%dma_start3A_493 : memref<!tpu.dma_semaphore, #tpu.memory_space<semaphore_mem>>)
      } else {
      }
      %mul3A_276 = arith.constant 8 : i32
      %mul3A_277 = arith.muli %add3A_248, %mul3A_276 : i32
      %add3A_278 = arith.addi %mul3A_2, %mul3A_277 : i32
      %dma_start3A_279 = arith.constant 3 : i32
      %dma_start3A_280 = arith.constant 24 : i32
      %dma_start3A_281 = arith.constant 0 : i32
      %dma_start3A_282 = tpu.memref_slice %arg6[%dma_start3A_280, %dma_start3A_281] : memref<64x1024xf32, #tpu.memory_space<vmem>> -> memref<8x1024xf32, #tpu.memory_space<vmem>>
      %dma_start3A_283 = arith.constant 0 : i32
      %dma_start3A_284 = tpu.memref_slice %arg4[%add3A_278, %dma_start3A_283] : memref<32768x1024xf32, #tpu.memory_space<hbm>> -> memref<8x1024xf32, #tpu.memory_space<hbm>>
      %dma_start3A_285 = tpu.memref_slice %arg8[%dma_start3A_279] : memref<8x!tpu.dma_semaphore, #tpu.memory_space<semaphore_mem>> -> memref<1x!tpu.dma_semaphore, #tpu.memory_space<semaphore_mem>>
      %dma_start3A_286 = tpu.memref_squeeze %dma_start3A_285 : memref<1x!tpu.dma_semaphore, #tpu.memory_space<semaphore_mem>> -> memref<!tpu.dma_semaphore, #tpu.memory_space<semaphore_mem>>
      %dma_start3A_287 = arith.constant 0 : i32
      %dma_start3A_288 = tpu.memref_slice %arg4[%add3A_278, %dma_start3A_287] : memref<32768x1024xf32, #tpu.memory_space<hbm>> -> memref<8x1024xf32, #tpu.memory_space<hbm>>
      %dma_start3A_289 = arith.constant 24 : i32
      %dma_start3A_290 = arith.constant 0 : i32
      %dma_start3A_291 = tpu.memref_slice %arg6[%dma_start3A_289, %dma_start3A_290] : memref<64x1024xf32, #tpu.memory_space<vmem>> -> memref<8x1024xf32, #tpu.memory_space<vmem>>
      tpu.enqueue_dma source(%dma_start3A_291 : memref<8x1024xf32, #tpu.memory_space<vmem>>) target(%dma_start3A_288 : memref<8x1024xf32, #tpu.memory_space<hbm>>) target_semaphore(%dma_start3A_286 : memref<!tpu.dma_semaphore, #tpu.memory_space<semaphore_mem>>)
      %mul3A_292 = arith.constant 8 : i32
      %mul3A_293 = arith.muli %scan3A_108, %mul3A_292 : i32
      %add3A_294 = arith.constant 4 : i32
      %add3A_295 = arith.addi %mul3A_293, %add3A_294 : i32
      %dma_wait3A_296 = arith.constant 4 : i32
      %dma_wait3A_297 = arith.constant 32 : i32
      %dma_wait3A_298 = arith.constant 0 : i32
      %dma_wait3A_299 = tpu.memref_slice %arg6[%dma_wait3A_297, %dma_wait3A_298] : memref<64x1024xf32, #tpu.memory_space<vmem>> -> memref<8x1024xf32, #tpu.memory_space<vmem>>
      %dma_wait3A_300 = arith.constant 0 : i32
      %dma_wait3A_301 = tpu.memref_slice %arg5[%dma_wait3A_300] : memref<1024xi32, #tpu.memory_space<vmem>> -> memref<8xi32, #tpu.memory_space<vmem>>
      %dma_wait3A_302 = arith.constant 0 : i32
      %dma_wait3A_303 = arith.constant 0 : i32
      %dma_wait3A_304 = tpu.memref_slice %arg3[%dma_wait3A_302, %dma_wait3A_303] : memref<8192x1024xf32, #tpu.memory_space<hbm>> -> memref<8192x1024xf32, #tpu.memory_space<hbm>>
      %dma_wait3A_305 = tpu.memref_slice %arg7[%dma_wait3A_296] : memref<8x!tpu.dma_semaphore, #tpu.memory_space<semaphore_mem>> -> memref<1x!tpu.dma_semaphore, #tpu.memory_space<semaphore_mem>>
      %dma_wait3A_306 = tpu.memref_squeeze %dma_wait3A_305 : memref<1x!tpu.dma_semaphore, #tpu.memory_space<semaphore_mem>> -> memref<!tpu.dma_semaphore, #tpu.memory_space<semaphore_mem>>
      tpu.wait_indirect_dma semaphore(%dma_wait3A_306 : memref<!tpu.dma_semaphore, #tpu.memory_space<semaphore_mem>>) src(%dma_wait3A_304 : memref<8192x1024xf32, #tpu.memory_space<hbm>>) dst(%dma_wait3A_299 : memref<8x1024xf32, #tpu.memory_space<vmem>>)
      %add3A_307 = arith.constant 4 : i32
      %add3A_308 = arith.addi %add3A_295, %add3A_307 : i32
      %sub3A_309 = arith.constant 8 : i32
      %sub3A_310 = arith.subi %add3A_308, %sub3A_309 : i32
      %ge3A_311 = arith.constant 0 : i32
      %ge3A_312 = arith.cmpi sge, %sub3A_310, %ge3A_311 : i32
      %convert_element_type3A_313 = arith.extui %ge3A_312 : i1 to i32
      %cond3A_314 = arith.constant 0 : i32
      %cond3A_315 = arith.cmpi ne, %convert_element_type3A_313, %cond3A_314 : i32
      scf.if %cond3A_315 {
        %dma_wait3A_480 = arith.constant 0 : i32
        %dma_wait3A_481 = arith.constant 0 : i32
        %dma_wait3A_482 = arith.constant 0 : i32
        %dma_wait3A_483 = tpu.memref_slice %arg6[%dma_wait3A_481, %dma_wait3A_482] : memref<64x1024xf32, #tpu.memory_space<vmem>> -> memref<8x1024xf32, #tpu.memory_space<vmem>>
        %dma_wait3A_484 = arith.constant 0 : i32
        %dma_wait3A_485 = tpu.memref_slice %arg4[%mul3A_2, %dma_wait3A_484] : memref<32768x1024xf32, #tpu.memory_space<hbm>> -> memref<8x1024xf32, #tpu.memory_space<hbm>>
        %dma_wait3A_486 = tpu.memref_slice %arg8[%dma_wait3A_480] : memref<8x!tpu.dma_semaphore, #tpu.memory_space<semaphore_mem>> -> memref<1x!tpu.dma_semaphore, #tpu.memory_space<semaphore_mem>>
        %dma_wait3A_487 = tpu.memref_squeeze %dma_wait3A_486 : memref<1x!tpu.dma_semaphore, #tpu.memory_space<semaphore_mem>> -> memref<!tpu.dma_semaphore, #tpu.memory_space<semaphore_mem>>
        %dma_wait3A_488 = arith.constant 0 : i32
        %dma_wait3A_489 = tpu.memref_slice %arg4[%mul3A_2, %dma_wait3A_488] : memref<32768x1024xf32, #tpu.memory_space<hbm>> -> memref<8x1024xf32, #tpu.memory_space<hbm>>
        %dma_wait3A_490 = arith.constant 0 : i32
        %dma_wait3A_491 = arith.constant 0 : i32
        %dma_wait3A_492 = tpu.memref_slice %arg6[%dma_wait3A_490, %dma_wait3A_491] : memref<64x1024xf32, #tpu.memory_space<vmem>> -> memref<8x1024xf32, #tpu.memory_space<vmem>>
        tpu.wait_dma2 semaphore(%dma_wait3A_487 : memref<!tpu.dma_semaphore, #tpu.memory_space<semaphore_mem>>) src(%dma_wait3A_492 : memref<8x1024xf32, #tpu.memory_space<vmem>>) dst(%dma_wait3A_489 : memref<8x1024xf32, #tpu.memory_space<hbm>>)
      } else {
      }
      %add3A_316 = arith.constant 4 : i32
      %add3A_317 = arith.addi %add3A_295, %add3A_316 : i32
      %lt3A_318 = arith.constant 128 : i32
      %lt3A_319 = arith.cmpi slt, %add3A_317, %lt3A_318 : i32
      %convert_element_type3A_320 = arith.extui %lt3A_319 : i1 to i32
      %cond3A_321 = arith.constant 0 : i32
      %cond3A_322 = arith.cmpi ne, %convert_element_type3A_320, %cond3A_321 : i32
      scf.if %cond3A_322 {
        %add3A_480 = arith.constant 4 : i32
        %add3A_481 = arith.addi %add3A_295, %add3A_480 : i32
        %mul3A_482 = arith.constant 8 : i32
        %mul3A_483 = arith.muli %add3A_481, %mul3A_482 : i32
        %dma_start3A_484 = arith.constant 0 : i32
        %dma_start3A_485 = arith.constant 0 : i32
        %dma_start3A_486 = arith.constant 0 : i32
        %dma_start3A_487 = tpu.memref_slice %arg6[%dma_start3A_485, %dma_start3A_486] : memref<64x1024xf32, #tpu.memory_space<vmem>> -> memref<8x1024xf32, #tpu.memory_space<vmem>>
        %dma_start3A_488 = tpu.memref_slice %arg5[%mul3A_483] : memref<1024xi32, #tpu.memory_space<vmem>> -> memref<8xi32, #tpu.memory_space<vmem>>
        %dma_start3A_489 = arith.constant 0 : i32
        %dma_start3A_490 = arith.constant 0 : i32
        %dma_start3A_491 = tpu.memref_slice %arg3[%dma_start3A_489, %dma_start3A_490] : memref<8192x1024xf32, #tpu.memory_space<hbm>> -> memref<8192x1024xf32, #tpu.memory_space<hbm>>
        %dma_start3A_492 = tpu.memref_slice %arg7[%dma_start3A_484] : memref<8x!tpu.dma_semaphore, #tpu.memory_space<semaphore_mem>> -> memref<1x!tpu.dma_semaphore, #tpu.memory_space<semaphore_mem>>
        %dma_start3A_493 = tpu.memref_squeeze %dma_start3A_492 : memref<1x!tpu.dma_semaphore, #tpu.memory_space<semaphore_mem>> -> memref<!tpu.dma_semaphore, #tpu.memory_space<semaphore_mem>>
        tpu.enqueue_indirect_dma source(%dma_start3A_491 : memref<8192x1024xf32, #tpu.memory_space<hbm>>) target(%dma_start3A_487 : memref<8x1024xf32, #tpu.memory_space<vmem>>) offsets(%dma_start3A_488 : memref<8xi32, #tpu.memory_space<vmem>>) semaphore(%dma_start3A_493 : memref<!tpu.dma_semaphore, #tpu.memory_space<semaphore_mem>>)
      } else {
      }
      %mul3A_323 = arith.constant 8 : i32
      %mul3A_324 = arith.muli %add3A_295, %mul3A_323 : i32
      %add3A_325 = arith.addi %mul3A_2, %mul3A_324 : i32
      %dma_start3A_326 = arith.constant 4 : i32
      %dma_start3A_327 = arith.constant 32 : i32
      %dma_start3A_328 = arith.constant 0 : i32
      %dma_start3A_329 = tpu.memref_slice %arg6[%dma_start3A_327, %dma_start3A_328] : memref<64x1024xf32, #tpu.memory_space<vmem>> -> memref<8x1024xf32, #tpu.memory_space<vmem>>
      %dma_start3A_330 = arith.constant 0 : i32
      %dma_start3A_331 = tpu.memref_slice %arg4[%add3A_325, %dma_start3A_330] : memref<32768x1024xf32, #tpu.memory_space<hbm>> -> memref<8x1024xf32, #tpu.memory_space<hbm>>
      %dma_start3A_332 = tpu.memref_slice %arg8[%dma_start3A_326] : memref<8x!tpu.dma_semaphore, #tpu.memory_space<semaphore_mem>> -> memref<1x!tpu.dma_semaphore, #tpu.memory_space<semaphore_mem>>
      %dma_start3A_333 = tpu.memref_squeeze %dma_start3A_332 : memref<1x!tpu.dma_semaphore, #tpu.memory_space<semaphore_mem>> -> memref<!tpu.dma_semaphore, #tpu.memory_space<semaphore_mem>>
      %dma_start3A_334 = arith.constant 0 : i32
      %dma_start3A_335 = tpu.memref_slice %arg4[%add3A_325, %dma_start3A_334] : memref<32768x1024xf32, #tpu.memory_space<hbm>> -> memref<8x1024xf32, #tpu.memory_space<hbm>>
      %dma_start3A_336 = arith.constant 32 : i32
      %dma_start3A_337 = arith.constant 0 : i32
      %dma_start3A_338 = tpu.memref_slice %arg6[%dma_start3A_336, %dma_start3A_337] : memref<64x1024xf32, #tpu.memory_space<vmem>> -> memref<8x1024xf32, #tpu.memory_space<vmem>>
      tpu.enqueue_dma source(%dma_start3A_338 : memref<8x1024xf32, #tpu.memory_space<vmem>>) target(%dma_start3A_335 : memref<8x1024xf32, #tpu.memory_space<hbm>>) target_semaphore(%dma_start3A_333 : memref<!tpu.dma_semaphore, #tpu.memory_space<semaphore_mem>>)
      %mul3A_339 = arith.constant 8 : i32
      %mul3A_340 = arith.muli %scan3A_108, %mul3A_339 : i32
      %add3A_341 = arith.constant 5 : i32
      %add3A_342 = arith.addi %mul3A_340, %add3A_341 : i32
      %dma_wait3A_343 = arith.constant 5 : i32
      %dma_wait3A_344 = arith.constant 40 : i32
      %dma_wait3A_345 = arith.constant 0 : i32
      %dma_wait3A_346 = tpu.memref_slice %arg6[%dma_wait3A_344, %dma_wait3A_345] : memref<64x1024xf32, #tpu.memory_space<vmem>> -> memref<8x1024xf32, #tpu.memory_space<vmem>>
      %dma_wait3A_347 = arith.constant 0 : i32
      %dma_wait3A_348 = tpu.memref_slice %arg5[%dma_wait3A_347] : memref<1024xi32, #tpu.memory_space<vmem>> -> memref<8xi32, #tpu.memory_space<vmem>>
      %dma_wait3A_349 = arith.constant 0 : i32
      %dma_wait3A_350 = arith.constant 0 : i32
      %dma_wait3A_351 = tpu.memref_slice %arg3[%dma_wait3A_349, %dma_wait3A_350] : memref<8192x1024xf32, #tpu.memory_space<hbm>> -> memref<8192x1024xf32, #tpu.memory_space<hbm>>
      %dma_wait3A_352 = tpu.memref_slice %arg7[%dma_wait3A_343] : memref<8x!tpu.dma_semaphore, #tpu.memory_space<semaphore_mem>> -> memref<1x!tpu.dma_semaphore, #tpu.memory_space<semaphore_mem>>
      %dma_wait3A_353 = tpu.memref_squeeze %dma_wait3A_352 : memref<1x!tpu.dma_semaphore, #tpu.memory_space<semaphore_mem>> -> memref<!tpu.dma_semaphore, #tpu.memory_space<semaphore_mem>>
      tpu.wait_indirect_dma semaphore(%dma_wait3A_353 : memref<!tpu.dma_semaphore, #tpu.memory_space<semaphore_mem>>) src(%dma_wait3A_351 : memref<8192x1024xf32, #tpu.memory_space<hbm>>) dst(%dma_wait3A_346 : memref<8x1024xf32, #tpu.memory_space<vmem>>)
      %add3A_354 = arith.constant 4 : i32
      %add3A_355 = arith.addi %add3A_342, %add3A_354 : i32
      %sub3A_356 = arith.constant 8 : i32
      %sub3A_357 = arith.subi %add3A_355, %sub3A_356 : i32
      %ge3A_358 = arith.constant 0 : i32
      %ge3A_359 = arith.cmpi sge, %sub3A_357, %ge3A_358 : i32
      %convert_element_type3A_360 = arith.extui %ge3A_359 : i1 to i32
      %cond3A_361 = arith.constant 0 : i32
      %cond3A_362 = arith.cmpi ne, %convert_element_type3A_360, %cond3A_361 : i32
      scf.if %cond3A_362 {
        %dma_wait3A_480 = arith.constant 1 : i32
        %dma_wait3A_481 = arith.constant 8 : i32
        %dma_wait3A_482 = arith.constant 0 : i32
        %dma_wait3A_483 = tpu.memref_slice %arg6[%dma_wait3A_481, %dma_wait3A_482] : memref<64x1024xf32, #tpu.memory_space<vmem>> -> memref<8x1024xf32, #tpu.memory_space<vmem>>
        %dma_wait3A_484 = arith.constant 0 : i32
        %dma_wait3A_485 = tpu.memref_slice %arg4[%mul3A_2, %dma_wait3A_484] : memref<32768x1024xf32, #tpu.memory_space<hbm>> -> memref<8x1024xf32, #tpu.memory_space<hbm>>
        %dma_wait3A_486 = tpu.memref_slice %arg8[%dma_wait3A_480] : memref<8x!tpu.dma_semaphore, #tpu.memory_space<semaphore_mem>> -> memref<1x!tpu.dma_semaphore, #tpu.memory_space<semaphore_mem>>
        %dma_wait3A_487 = tpu.memref_squeeze %dma_wait3A_486 : memref<1x!tpu.dma_semaphore, #tpu.memory_space<semaphore_mem>> -> memref<!tpu.dma_semaphore, #tpu.memory_space<semaphore_mem>>
        %dma_wait3A_488 = arith.constant 0 : i32
        %dma_wait3A_489 = tpu.memref_slice %arg4[%mul3A_2, %dma_wait3A_488] : memref<32768x1024xf32, #tpu.memory_space<hbm>> -> memref<8x1024xf32, #tpu.memory_space<hbm>>
        %dma_wait3A_490 = arith.constant 8 : i32
        %dma_wait3A_491 = arith.constant 0 : i32
        %dma_wait3A_492 = tpu.memref_slice %arg6[%dma_wait3A_490, %dma_wait3A_491] : memref<64x1024xf32, #tpu.memory_space<vmem>> -> memref<8x1024xf32, #tpu.memory_space<vmem>>
        tpu.wait_dma2 semaphore(%dma_wait3A_487 : memref<!tpu.dma_semaphore, #tpu.memory_space<semaphore_mem>>) src(%dma_wait3A_492 : memref<8x1024xf32, #tpu.memory_space<vmem>>) dst(%dma_wait3A_489 : memref<8x1024xf32, #tpu.memory_space<hbm>>)
      } else {
      }
      %add3A_363 = arith.constant 4 : i32
      %add3A_364 = arith.addi %add3A_342, %add3A_363 : i32
      %lt3A_365 = arith.constant 128 : i32
      %lt3A_366 = arith.cmpi slt, %add3A_364, %lt3A_365 : i32
      %convert_element_type3A_367 = arith.extui %lt3A_366 : i1 to i32
      %cond3A_368 = arith.constant 0 : i32
      %cond3A_369 = arith.cmpi ne, %convert_element_type3A_367, %cond3A_368 : i32
      scf.if %cond3A_369 {
        %add3A_480 = arith.constant 4 : i32
        %add3A_481 = arith.addi %add3A_342, %add3A_480 : i32
        %mul3A_482 = arith.constant 8 : i32
        %mul3A_483 = arith.muli %add3A_481, %mul3A_482 : i32
        %dma_start3A_484 = arith.constant 1 : i32
        %dma_start3A_485 = arith.constant 8 : i32
        %dma_start3A_486 = arith.constant 0 : i32
        %dma_start3A_487 = tpu.memref_slice %arg6[%dma_start3A_485, %dma_start3A_486] : memref<64x1024xf32, #tpu.memory_space<vmem>> -> memref<8x1024xf32, #tpu.memory_space<vmem>>
        %dma_start3A_488 = tpu.memref_slice %arg5[%mul3A_483] : memref<1024xi32, #tpu.memory_space<vmem>> -> memref<8xi32, #tpu.memory_space<vmem>>
        %dma_start3A_489 = arith.constant 0 : i32
        %dma_start3A_490 = arith.constant 0 : i32
        %dma_start3A_491 = tpu.memref_slice %arg3[%dma_start3A_489, %dma_start3A_490] : memref<8192x1024xf32, #tpu.memory_space<hbm>> -> memref<8192x1024xf32, #tpu.memory_space<hbm>>
        %dma_start3A_492 = tpu.memref_slice %arg7[%dma_start3A_484] : memref<8x!tpu.dma_semaphore, #tpu.memory_space<semaphore_mem>> -> memref<1x!tpu.dma_semaphore, #tpu.memory_space<semaphore_mem>>
        %dma_start3A_493 = tpu.memref_squeeze %dma_start3A_492 : memref<1x!tpu.dma_semaphore, #tpu.memory_space<semaphore_mem>> -> memref<!tpu.dma_semaphore, #tpu.memory_space<semaphore_mem>>
        tpu.enqueue_indirect_dma source(%dma_start3A_491 : memref<8192x1024xf32, #tpu.memory_space<hbm>>) target(%dma_start3A_487 : memref<8x1024xf32, #tpu.memory_space<vmem>>) offsets(%dma_start3A_488 : memref<8xi32, #tpu.memory_space<vmem>>) semaphore(%dma_start3A_493 : memref<!tpu.dma_semaphore, #tpu.memory_space<semaphore_mem>>)
      } else {
      }
      %mul3A_370 = arith.constant 8 : i32
      %mul3A_371 = arith.muli %add3A_342, %mul3A_370 : i32
      %add3A_372 = arith.addi %mul3A_2, %mul3A_371 : i32
      %dma_start3A_373 = arith.constant 5 : i32
      %dma_start3A_374 = arith.constant 40 : i32
      %dma_start3A_375 = arith.constant 0 : i32
      %dma_start3A_376 = tpu.memref_slice %arg6[%dma_start3A_374, %dma_start3A_375] : memref<64x1024xf32, #tpu.memory_space<vmem>> -> memref<8x1024xf32, #tpu.memory_space<vmem>>
      %dma_start3A_377 = arith.constant 0 : i32
      %dma_start3A_378 = tpu.memref_slice %arg4[%add3A_372, %dma_start3A_377] : memref<32768x1024xf32, #tpu.memory_space<hbm>> -> memref<8x1024xf32, #tpu.memory_space<hbm>>
      %dma_start3A_379 = tpu.memref_slice %arg8[%dma_start3A_373] : memref<8x!tpu.dma_semaphore, #tpu.memory_space<semaphore_mem>> -> memref<1x!tpu.dma_semaphore, #tpu.memory_space<semaphore_mem>>
      %dma_start3A_380 = tpu.memref_squeeze %dma_start3A_379 : memref<1x!tpu.dma_semaphore, #tpu.memory_space<semaphore_mem>> -> memref<!tpu.dma_semaphore, #tpu.memory_space<semaphore_mem>>
      %dma_start3A_381 = arith.constant 0 : i32
      %dma_start3A_382 = tpu.memref_slice %arg4[%add3A_372, %dma_start3A_381] : memref<32768x1024xf32, #tpu.memory_space<hbm>> -> memref<8x1024xf32, #tpu.memory_space<hbm>>
      %dma_start3A_383 = arith.constant 40 : i32
      %dma_start3A_384 = arith.constant 0 : i32
      %dma_start3A_385 = tpu.memref_slice %arg6[%dma_start3A_383, %dma_start3A_384] : memref<64x1024xf32, #tpu.memory_space<vmem>> -> memref<8x1024xf32, #tpu.memory_space<vmem>>
      tpu.enqueue_dma source(%dma_start3A_385 : memref<8x1024xf32, #tpu.memory_space<vmem>>) target(%dma_start3A_382 : memref<8x1024xf32, #tpu.memory_space<hbm>>) target_semaphore(%dma_start3A_380 : memref<!tpu.dma_semaphore, #tpu.memory_space<semaphore_mem>>)
      %mul3A_386 = arith.constant 8 : i32
      %mul3A_387 = arith.muli %scan3A_108, %mul3A_386 : i32
      %add3A_388 = arith.constant 6 : i32
      %add3A_389 = arith.addi %mul3A_387, %add3A_388 : i32
      %dma_wait3A_390 = arith.constant 6 : i32
      %dma_wait3A_391 = arith.constant 48 : i32
      %dma_wait3A_392 = arith.constant 0 : i32
      %dma_wait3A_393 = tpu.memref_slice %arg6[%dma_wait3A_391, %dma_wait3A_392] : memref<64x1024xf32, #tpu.memory_space<vmem>> -> memref<8x1024xf32, #tpu.memory_space<vmem>>
      %dma_wait3A_394 = arith.constant 0 : i32
      %dma_wait3A_395 = tpu.memref_slice %arg5[%dma_wait3A_394] : memref<1024xi32, #tpu.memory_space<vmem>> -> memref<8xi32, #tpu.memory_space<vmem>>
      %dma_wait3A_396 = arith.constant 0 : i32
      %dma_wait3A_397 = arith.constant 0 : i32
      %dma_wait3A_398 = tpu.memref_slice %arg3[%dma_wait3A_396, %dma_wait3A_397] : memref<8192x1024xf32, #tpu.memory_space<hbm>> -> memref<8192x1024xf32, #tpu.memory_space<hbm>>
      %dma_wait3A_399 = tpu.memref_slice %arg7[%dma_wait3A_390] : memref<8x!tpu.dma_semaphore, #tpu.memory_space<semaphore_mem>> -> memref<1x!tpu.dma_semaphore, #tpu.memory_space<semaphore_mem>>
      %dma_wait3A_400 = tpu.memref_squeeze %dma_wait3A_399 : memref<1x!tpu.dma_semaphore, #tpu.memory_space<semaphore_mem>> -> memref<!tpu.dma_semaphore, #tpu.memory_space<semaphore_mem>>
      tpu.wait_indirect_dma semaphore(%dma_wait3A_400 : memref<!tpu.dma_semaphore, #tpu.memory_space<semaphore_mem>>) src(%dma_wait3A_398 : memref<8192x1024xf32, #tpu.memory_space<hbm>>) dst(%dma_wait3A_393 : memref<8x1024xf32, #tpu.memory_space<vmem>>)
      %add3A_401 = arith.constant 4 : i32
      %add3A_402 = arith.addi %add3A_389, %add3A_401 : i32
      %sub3A_403 = arith.constant 8 : i32
      %sub3A_404 = arith.subi %add3A_402, %sub3A_403 : i32
      %ge3A_405 = arith.constant 0 : i32
      %ge3A_406 = arith.cmpi sge, %sub3A_404, %ge3A_405 : i32
      %convert_element_type3A_407 = arith.extui %ge3A_406 : i1 to i32
      %cond3A_408 = arith.constant 0 : i32
      %cond3A_409 = arith.cmpi ne, %convert_element_type3A_407, %cond3A_408 : i32
      scf.if %cond3A_409 {
        %dma_wait3A_480 = arith.constant 2 : i32
        %dma_wait3A_481 = arith.constant 16 : i32
        %dma_wait3A_482 = arith.constant 0 : i32
        %dma_wait3A_483 = tpu.memref_slice %arg6[%dma_wait3A_481, %dma_wait3A_482] : memref<64x1024xf32, #tpu.memory_space<vmem>> -> memref<8x1024xf32, #tpu.memory_space<vmem>>
        %dma_wait3A_484 = arith.constant 0 : i32
        %dma_wait3A_485 = tpu.memref_slice %arg4[%mul3A_2, %dma_wait3A_484] : memref<32768x1024xf32, #tpu.memory_space<hbm>> -> memref<8x1024xf32, #tpu.memory_space<hbm>>
        %dma_wait3A_486 = tpu.memref_slice %arg8[%dma_wait3A_480] : memref<8x!tpu.dma_semaphore, #tpu.memory_space<semaphore_mem>> -> memref<1x!tpu.dma_semaphore, #tpu.memory_space<semaphore_mem>>
        %dma_wait3A_487 = tpu.memref_squeeze %dma_wait3A_486 : memref<1x!tpu.dma_semaphore, #tpu.memory_space<semaphore_mem>> -> memref<!tpu.dma_semaphore, #tpu.memory_space<semaphore_mem>>
        %dma_wait3A_488 = arith.constant 0 : i32
        %dma_wait3A_489 = tpu.memref_slice %arg4[%mul3A_2, %dma_wait3A_488] : memref<32768x1024xf32, #tpu.memory_space<hbm>> -> memref<8x1024xf32, #tpu.memory_space<hbm>>
        %dma_wait3A_490 = arith.constant 16 : i32
        %dma_wait3A_491 = arith.constant 0 : i32
        %dma_wait3A_492 = tpu.memref_slice %arg6[%dma_wait3A_490, %dma_wait3A_491] : memref<64x1024xf32, #tpu.memory_space<vmem>> -> memref<8x1024xf32, #tpu.memory_space<vmem>>
        tpu.wait_dma2 semaphore(%dma_wait3A_487 : memref<!tpu.dma_semaphore, #tpu.memory_space<semaphore_mem>>) src(%dma_wait3A_492 : memref<8x1024xf32, #tpu.memory_space<vmem>>) dst(%dma_wait3A_489 : memref<8x1024xf32, #tpu.memory_space<hbm>>)
      } else {
      }
      %add3A_410 = arith.constant 4 : i32
      %add3A_411 = arith.addi %add3A_389, %add3A_410 : i32
      %lt3A_412 = arith.constant 128 : i32
      %lt3A_413 = arith.cmpi slt, %add3A_411, %lt3A_412 : i32
      %convert_element_type3A_414 = arith.extui %lt3A_413 : i1 to i32
      %cond3A_415 = arith.constant 0 : i32
      %cond3A_416 = arith.cmpi ne, %convert_element_type3A_414, %cond3A_415 : i32
      scf.if %cond3A_416 {
        %add3A_480 = arith.constant 4 : i32
        %add3A_481 = arith.addi %add3A_389, %add3A_480 : i32
        %mul3A_482 = arith.constant 8 : i32
        %mul3A_483 = arith.muli %add3A_481, %mul3A_482 : i32
        %dma_start3A_484 = arith.constant 2 : i32
        %dma_start3A_485 = arith.constant 16 : i32
        %dma_start3A_486 = arith.constant 0 : i32
        %dma_start3A_487 = tpu.memref_slice %arg6[%dma_start3A_485, %dma_start3A_486] : memref<64x1024xf32, #tpu.memory_space<vmem>> -> memref<8x1024xf32, #tpu.memory_space<vmem>>
        %dma_start3A_488 = tpu.memref_slice %arg5[%mul3A_483] : memref<1024xi32, #tpu.memory_space<vmem>> -> memref<8xi32, #tpu.memory_space<vmem>>
        %dma_start3A_489 = arith.constant 0 : i32
        %dma_start3A_490 = arith.constant 0 : i32
        %dma_start3A_491 = tpu.memref_slice %arg3[%dma_start3A_489, %dma_start3A_490] : memref<8192x1024xf32, #tpu.memory_space<hbm>> -> memref<8192x1024xf32, #tpu.memory_space<hbm>>
        %dma_start3A_492 = tpu.memref_slice %arg7[%dma_start3A_484] : memref<8x!tpu.dma_semaphore, #tpu.memory_space<semaphore_mem>> -> memref<1x!tpu.dma_semaphore, #tpu.memory_space<semaphore_mem>>
        %dma_start3A_493 = tpu.memref_squeeze %dma_start3A_492 : memref<1x!tpu.dma_semaphore, #tpu.memory_space<semaphore_mem>> -> memref<!tpu.dma_semaphore, #tpu.memory_space<semaphore_mem>>
        tpu.enqueue_indirect_dma source(%dma_start3A_491 : memref<8192x1024xf32, #tpu.memory_space<hbm>>) target(%dma_start3A_487 : memref<8x1024xf32, #tpu.memory_space<vmem>>) offsets(%dma_start3A_488 : memref<8xi32, #tpu.memory_space<vmem>>) semaphore(%dma_start3A_493 : memref<!tpu.dma_semaphore, #tpu.memory_space<semaphore_mem>>)
      } else {
      }
      %mul3A_417 = arith.constant 8 : i32
      %mul3A_418 = arith.muli %add3A_389, %mul3A_417 : i32
      %add3A_419 = arith.addi %mul3A_2, %mul3A_418 : i32
      %dma_start3A_420 = arith.constant 6 : i32
      %dma_start3A_421 = arith.constant 48 : i32
      %dma_start3A_422 = arith.constant 0 : i32
      %dma_start3A_423 = tpu.memref_slice %arg6[%dma_start3A_421, %dma_start3A_422] : memref<64x1024xf32, #tpu.memory_space<vmem>> -> memref<8x1024xf32, #tpu.memory_space<vmem>>
      %dma_start3A_424 = arith.constant 0 : i32
      %dma_start3A_425 = tpu.memref_slice %arg4[%add3A_419, %dma_start3A_424] : memref<32768x1024xf32, #tpu.memory_space<hbm>> -> memref<8x1024xf32, #tpu.memory_space<hbm>>
      %dma_start3A_426 = tpu.memref_slice %arg8[%dma_start3A_420] : memref<8x!tpu.dma_semaphore, #tpu.memory_space<semaphore_mem>> -> memref<1x!tpu.dma_semaphore, #tpu.memory_space<semaphore_mem>>
      %dma_start3A_427 = tpu.memref_squeeze %dma_start3A_426 : memref<1x!tpu.dma_semaphore, #tpu.memory_space<semaphore_mem>> -> memref<!tpu.dma_semaphore, #tpu.memory_space<semaphore_mem>>
      %dma_start3A_428 = arith.constant 0 : i32
      %dma_start3A_429 = tpu.memref_slice %arg4[%add3A_419, %dma_start3A_428] : memref<32768x1024xf32, #tpu.memory_space<hbm>> -> memref<8x1024xf32, #tpu.memory_space<hbm>>
      %dma_start3A_430 = arith.constant 48 : i32
      %dma_start3A_431 = arith.constant 0 : i32
      %dma_start3A_432 = tpu.memref_slice %arg6[%dma_start3A_430, %dma_start3A_431] : memref<64x1024xf32, #tpu.memory_space<vmem>> -> memref<8x1024xf32, #tpu.memory_space<vmem>>
      tpu.enqueue_dma source(%dma_start3A_432 : memref<8x1024xf32, #tpu.memory_space<vmem>>) target(%dma_start3A_429 : memref<8x1024xf32, #tpu.memory_space<hbm>>) target_semaphore(%dma_start3A_427 : memref<!tpu.dma_semaphore, #tpu.memory_space<semaphore_mem>>)
      %mul3A_433 = arith.constant 8 : i32
      %mul3A_434 = arith.muli %scan3A_108, %mul3A_433 : i32
      %add3A_435 = arith.constant 7 : i32
      %add3A_436 = arith.addi %mul3A_434, %add3A_435 : i32
      %dma_wait3A_437 = arith.constant 7 : i32
      %dma_wait3A_438 = arith.constant 56 : i32
      %dma_wait3A_439 = arith.constant 0 : i32
      %dma_wait3A_440 = tpu.memref_slice %arg6[%dma_wait3A_438, %dma_wait3A_439] : memref<64x1024xf32, #tpu.memory_space<vmem>> -> memref<8x1024xf32, #tpu.memory_space<vmem>>
      %dma_wait3A_441 = arith.constant 0 : i32
      %dma_wait3A_442 = tpu.memref_slice %arg5[%dma_wait3A_441] : memref<1024xi32, #tpu.memory_space<vmem>> -> memref<8xi32, #tpu.memory_space<vmem>>
      %dma_wait3A_443 = arith.constant 0 : i32
      %dma_wait3A_444 = arith.constant 0 : i32
      %dma_wait3A_445 = tpu.memref_slice %arg3[%dma_wait3A_443, %dma_wait3A_444] : memref<8192x1024xf32, #tpu.memory_space<hbm>> -> memref<8192x1024xf32, #tpu.memory_space<hbm>>
      %dma_wait3A_446 = tpu.memref_slice %arg7[%dma_wait3A_437] : memref<8x!tpu.dma_semaphore, #tpu.memory_space<semaphore_mem>> -> memref<1x!tpu.dma_semaphore, #tpu.memory_space<semaphore_mem>>
      %dma_wait3A_447 = tpu.memref_squeeze %dma_wait3A_446 : memref<1x!tpu.dma_semaphore, #tpu.memory_space<semaphore_mem>> -> memref<!tpu.dma_semaphore, #tpu.memory_space<semaphore_mem>>
      tpu.wait_indirect_dma semaphore(%dma_wait3A_447 : memref<!tpu.dma_semaphore, #tpu.memory_space<semaphore_mem>>) src(%dma_wait3A_445 : memref<8192x1024xf32, #tpu.memory_space<hbm>>) dst(%dma_wait3A_440 : memref<8x1024xf32, #tpu.memory_space<vmem>>)
      %add3A_448 = arith.constant 4 : i32
      %add3A_449 = arith.addi %add3A_436, %add3A_448 : i32
      %sub3A_450 = arith.constant 8 : i32
      %sub3A_451 = arith.subi %add3A_449, %sub3A_450 : i32
      %ge3A_452 = arith.constant 0 : i32
      %ge3A_453 = arith.cmpi sge, %sub3A_451, %ge3A_452 : i32
      %convert_element_type3A_454 = arith.extui %ge3A_453 : i1 to i32
      %cond3A_455 = arith.constant 0 : i32
      %cond3A_456 = arith.cmpi ne, %convert_element_type3A_454, %cond3A_455 : i32
      scf.if %cond3A_456 {
        %dma_wait3A_480 = arith.constant 3 : i32
        %dma_wait3A_481 = arith.constant 24 : i32
        %dma_wait3A_482 = arith.constant 0 : i32
        %dma_wait3A_483 = tpu.memref_slice %arg6[%dma_wait3A_481, %dma_wait3A_482] : memref<64x1024xf32, #tpu.memory_space<vmem>> -> memref<8x1024xf32, #tpu.memory_space<vmem>>
        %dma_wait3A_484 = arith.constant 0 : i32
        %dma_wait3A_485 = tpu.memref_slice %arg4[%mul3A_2, %dma_wait3A_484] : memref<32768x1024xf32, #tpu.memory_space<hbm>> -> memref<8x1024xf32, #tpu.memory_space<hbm>>
        %dma_wait3A_486 = tpu.memref_slice %arg8[%dma_wait3A_480] : memref<8x!tpu.dma_semaphore, #tpu.memory_space<semaphore_mem>> -> memref<1x!tpu.dma_semaphore, #tpu.memory_space<semaphore_mem>>
        %dma_wait3A_487 = tpu.memref_squeeze %dma_wait3A_486 : memref<1x!tpu.dma_semaphore, #tpu.memory_space<semaphore_mem>> -> memref<!tpu.dma_semaphore, #tpu.memory_space<semaphore_mem>>
        %dma_wait3A_488 = arith.constant 0 : i32
        %dma_wait3A_489 = tpu.memref_slice %arg4[%mul3A_2, %dma_wait3A_488] : memref<32768x1024xf32, #tpu.memory_space<hbm>> -> memref<8x1024xf32, #tpu.memory_space<hbm>>
        %dma_wait3A_490 = arith.constant 24 : i32
        %dma_wait3A_491 = arith.constant 0 : i32
        %dma_wait3A_492 = tpu.memref_slice %arg6[%dma_wait3A_490, %dma_wait3A_491] : memref<64x1024xf32, #tpu.memory_space<vmem>> -> memref<8x1024xf32, #tpu.memory_space<vmem>>
        tpu.wait_dma2 semaphore(%dma_wait3A_487 : memref<!tpu.dma_semaphore, #tpu.memory_space<semaphore_mem>>) src(%dma_wait3A_492 : memref<8x1024xf32, #tpu.memory_space<vmem>>) dst(%dma_wait3A_489 : memref<8x1024xf32, #tpu.memory_space<hbm>>)
      } else {
      }
      %add3A_457 = arith.constant 4 : i32
      %add3A_458 = arith.addi %add3A_436, %add3A_457 : i32
      %lt3A_459 = arith.constant 128 : i32
      %lt3A_460 = arith.cmpi slt, %add3A_458, %lt3A_459 : i32
      %convert_element_type3A_461 = arith.extui %lt3A_460 : i1 to i32
      %cond3A_462 = arith.constant 0 : i32
      %cond3A_463 = arith.cmpi ne, %convert_element_type3A_461, %cond3A_462 : i32
      scf.if %cond3A_463 {
        %add3A_480 = arith.constant 4 : i32
        %add3A_481 = arith.addi %add3A_436, %add3A_480 : i32
        %mul3A_482 = arith.constant 8 : i32
        %mul3A_483 = arith.muli %add3A_481, %mul3A_482 : i32
        %dma_start3A_484 = arith.constant 3 : i32
        %dma_start3A_485 = arith.constant 24 : i32
        %dma_start3A_486 = arith.constant 0 : i32
        %dma_start3A_487 = tpu.memref_slice %arg6[%dma_start3A_485, %dma_start3A_486] : memref<64x1024xf32, #tpu.memory_space<vmem>> -> memref<8x1024xf32, #tpu.memory_space<vmem>>
        %dma_start3A_488 = tpu.memref_slice %arg5[%mul3A_483] : memref<1024xi32, #tpu.memory_space<vmem>> -> memref<8xi32, #tpu.memory_space<vmem>>
        %dma_start3A_489 = arith.constant 0 : i32
        %dma_start3A_490 = arith.constant 0 : i32
        %dma_start3A_491 = tpu.memref_slice %arg3[%dma_start3A_489, %dma_start3A_490] : memref<8192x1024xf32, #tpu.memory_space<hbm>> -> memref<8192x1024xf32, #tpu.memory_space<hbm>>
        %dma_start3A_492 = tpu.memref_slice %arg7[%dma_start3A_484] : memref<8x!tpu.dma_semaphore, #tpu.memory_space<semaphore_mem>> -> memref<1x!tpu.dma_semaphore, #tpu.memory_space<semaphore_mem>>
        %dma_start3A_493 = tpu.memref_squeeze %dma_start3A_492 : memref<1x!tpu.dma_semaphore, #tpu.memory_space<semaphore_mem>> -> memref<!tpu.dma_semaphore, #tpu.memory_space<semaphore_mem>>
        tpu.enqueue_indirect_dma source(%dma_start3A_491 : memref<8192x1024xf32, #tpu.memory_space<hbm>>) target(%dma_start3A_487 : memref<8x1024xf32, #tpu.memory_space<vmem>>) offsets(%dma_start3A_488 : memref<8xi32, #tpu.memory_space<vmem>>) semaphore(%dma_start3A_493 : memref<!tpu.dma_semaphore, #tpu.memory_space<semaphore_mem>>)
      } else {
      }
      %mul3A_464 = arith.constant 8 : i32
      %mul3A_465 = arith.muli %add3A_436, %mul3A_464 : i32
      %add3A_466 = arith.addi %mul3A_2, %mul3A_465 : i32
      %dma_start3A_467 = arith.constant 7 : i32
      %dma_start3A_468 = arith.constant 56 : i32
      %dma_start3A_469 = arith.constant 0 : i32
      %dma_start3A_470 = tpu.memref_slice %arg6[%dma_start3A_468, %dma_start3A_469] : memref<64x1024xf32, #tpu.memory_space<vmem>> -> memref<8x1024xf32, #tpu.memory_space<vmem>>
      %dma_start3A_471 = arith.constant 0 : i32
      %dma_start3A_472 = tpu.memref_slice %arg4[%add3A_466, %dma_start3A_471] : memref<32768x1024xf32, #tpu.memory_space<hbm>> -> memref<8x1024xf32, #tpu.memory_space<hbm>>
      %dma_start3A_473 = tpu.memref_slice %arg8[%dma_start3A_467] : memref<8x!tpu.dma_semaphore, #tpu.memory_space<semaphore_mem>> -> memref<1x!tpu.dma_semaphore, #tpu.memory_space<semaphore_mem>>
      %dma_start3A_474 = tpu.memref_squeeze %dma_start3A_473 : memref<1x!tpu.dma_semaphore, #tpu.memory_space<semaphore_mem>> -> memref<!tpu.dma_semaphore, #tpu.memory_space<semaphore_mem>>
      %dma_start3A_475 = arith.constant 0 : i32
      %dma_start3A_476 = tpu.memref_slice %arg4[%add3A_466, %dma_start3A_475] : memref<32768x1024xf32, #tpu.memory_space<hbm>> -> memref<8x1024xf32, #tpu.memory_space<hbm>>
      %dma_start3A_477 = arith.constant 56 : i32
      %dma_start3A_478 = arith.constant 0 : i32
      %dma_start3A_479 = tpu.memref_slice %arg6[%dma_start3A_477, %dma_start3A_478] : memref<64x1024xf32, #tpu.memory_space<vmem>> -> memref<8x1024xf32, #tpu.memory_space<vmem>>
      tpu.enqueue_dma source(%dma_start3A_479 : memref<8x1024xf32, #tpu.memory_space<vmem>>) target(%dma_start3A_476 : memref<8x1024xf32, #tpu.memory_space<hbm>>) target_semaphore(%dma_start3A_474 : memref<!tpu.dma_semaphore, #tpu.memory_space<semaphore_mem>>)
    }
    %scan3A_56 = arith.constant 16 : i32
    %dma_wait3A = arith.constant 4 : i32
    %dma_wait3A_57 = arith.constant 32 : i32
    %dma_wait3A_58 = arith.constant 0 : i32
    %dma_wait3A_59 = tpu.memref_slice %arg6[%dma_wait3A_57, %dma_wait3A_58] : memref<64x1024xf32, #tpu.memory_space<vmem>> -> memref<8x1024xf32, #tpu.memory_space<vmem>>
    %dma_wait3A_60 = arith.constant 0 : i32
    %dma_wait3A_61 = tpu.memref_slice %arg4[%mul3A_2, %dma_wait3A_60] : memref<32768x1024xf32, #tpu.memory_space<hbm>> -> memref<8x1024xf32, #tpu.memory_space<hbm>>
    %dma_wait3A_62 = tpu.memref_slice %arg8[%dma_wait3A] : memref<8x!tpu.dma_semaphore, #tpu.memory_space<semaphore_mem>> -> memref<1x!tpu.dma_semaphore, #tpu.memory_space<semaphore_mem>>
    %dma_wait3A_63 = tpu.memref_squeeze %dma_wait3A_62 : memref<1x!tpu.dma_semaphore, #tpu.memory_space<semaphore_mem>> -> memref<!tpu.dma_semaphore, #tpu.memory_space<semaphore_mem>>
    %dma_wait3A_64 = arith.constant 0 : i32
    %dma_wait3A_65 = tpu.memref_slice %arg4[%mul3A_2, %dma_wait3A_64] : memref<32768x1024xf32, #tpu.memory_space<hbm>> -> memref<8x1024xf32, #tpu.memory_space<hbm>>
    %dma_wait3A_66 = arith.constant 32 : i32
    %dma_wait3A_67 = arith.constant 0 : i32
    %dma_wait3A_68 = tpu.memref_slice %arg6[%dma_wait3A_66, %dma_wait3A_67] : memref<64x1024xf32, #tpu.memory_space<vmem>> -> memref<8x1024xf32, #tpu.memory_space<vmem>>
    tpu.wait_dma2 semaphore(%dma_wait3A_63 : memref<!tpu.dma_semaphore, #tpu.memory_space<semaphore_mem>>) src(%dma_wait3A_68 : memref<8x1024xf32, #tpu.memory_space<vmem>>) dst(%dma_wait3A_65 : memref<8x1024xf32, #tpu.memory_space<hbm>>)
    %dma_wait3A_69 = arith.constant 5 : i32
    %dma_wait3A_70 = arith.constant 40 : i32
    %dma_wait3A_71 = arith.constant 0 : i32
    %dma_wait3A_72 = tpu.memref_slice %arg6[%dma_wait3A_70, %dma_wait3A_71] : memref<64x1024xf32, #tpu.memory_space<vmem>> -> memref<8x1024xf32, #tpu.memory_space<vmem>>
    %dma_wait3A_73 = arith.constant 0 : i32
    %dma_wait3A_74 = tpu.memref_slice %arg4[%mul3A_2, %dma_wait3A_73] : memref<32768x1024xf32, #tpu.memory_space<hbm>> -> memref<8x1024xf32, #tpu.memory_space<hbm>>
    %dma_wait3A_75 = tpu.memref_slice %arg8[%dma_wait3A_69] : memref<8x!tpu.dma_semaphore, #tpu.memory_space<semaphore_mem>> -> memref<1x!tpu.dma_semaphore, #tpu.memory_space<semaphore_mem>>
    %dma_wait3A_76 = tpu.memref_squeeze %dma_wait3A_75 : memref<1x!tpu.dma_semaphore, #tpu.memory_space<semaphore_mem>> -> memref<!tpu.dma_semaphore, #tpu.memory_space<semaphore_mem>>
    %dma_wait3A_77 = arith.constant 0 : i32
    %dma_wait3A_78 = tpu.memref_slice %arg4[%mul3A_2, %dma_wait3A_77] : memref<32768x1024xf32, #tpu.memory_space<hbm>> -> memref<8x1024xf32, #tpu.memory_space<hbm>>
    %dma_wait3A_79 = arith.constant 40 : i32
    %dma_wait3A_80 = arith.constant 0 : i32
    %dma_wait3A_81 = tpu.memref_slice %arg6[%dma_wait3A_79, %dma_wait3A_80] : memref<64x1024xf32, #tpu.memory_space<vmem>> -> memref<8x1024xf32, #tpu.memory_space<vmem>>
    tpu.wait_dma2 semaphore(%dma_wait3A_76 : memref<!tpu.dma_semaphore, #tpu.memory_space<semaphore_mem>>) src(%dma_wait3A_81 : memref<8x1024xf32, #tpu.memory_space<vmem>>) dst(%dma_wait3A_78 : memref<8x1024xf32, #tpu.memory_space<hbm>>)
    %dma_wait3A_82 = arith.constant 6 : i32
    %dma_wait3A_83 = arith.constant 48 : i32
    %dma_wait3A_84 = arith.constant 0 : i32
    %dma_wait3A_85 = tpu.memref_slice %arg6[%dma_wait3A_83, %dma_wait3A_84] : memref<64x1024xf32, #tpu.memory_space<vmem>> -> memref<8x1024xf32, #tpu.memory_space<vmem>>
    %dma_wait3A_86 = arith.constant 0 : i32
    %dma_wait3A_87 = tpu.memref_slice %arg4[%mul3A_2, %dma_wait3A_86] : memref<32768x1024xf32, #tpu.memory_space<hbm>> -> memref<8x1024xf32, #tpu.memory_space<hbm>>
    %dma_wait3A_88 = tpu.memref_slice %arg8[%dma_wait3A_82] : memref<8x!tpu.dma_semaphore, #tpu.memory_space<semaphore_mem>> -> memref<1x!tpu.dma_semaphore, #tpu.memory_space<semaphore_mem>>
    %dma_wait3A_89 = tpu.memref_squeeze %dma_wait3A_88 : memref<1x!tpu.dma_semaphore, #tpu.memory_space<semaphore_mem>> -> memref<!tpu.dma_semaphore, #tpu.memory_space<semaphore_mem>>
    %dma_wait3A_90 = arith.constant 0 : i32
    %dma_wait3A_91 = tpu.memref_slice %arg4[%mul3A_2, %dma_wait3A_90] : memref<32768x1024xf32, #tpu.memory_space<hbm>> -> memref<8x1024xf32, #tpu.memory_space<hbm>>
    %dma_wait3A_92 = arith.constant 48 : i32
    %dma_wait3A_93 = arith.constant 0 : i32
    %dma_wait3A_94 = tpu.memref_slice %arg6[%dma_wait3A_92, %dma_wait3A_93] : memref<64x1024xf32, #tpu.memory_space<vmem>> -> memref<8x1024xf32, #tpu.memory_space<vmem>>
    tpu.wait_dma2 semaphore(%dma_wait3A_89 : memref<!tpu.dma_semaphore, #tpu.memory_space<semaphore_mem>>) src(%dma_wait3A_94 : memref<8x1024xf32, #tpu.memory_space<vmem>>) dst(%dma_wait3A_91 : memref<8x1024xf32, #tpu.memory_space<hbm>>)
    %dma_wait3A_95 = arith.constant 7 : i32
    %dma_wait3A_96 = arith.constant 56 : i32
    %dma_wait3A_97 = arith.constant 0 : i32
    %dma_wait3A_98 = tpu.memref_slice %arg6[%dma_wait3A_96, %dma_wait3A_97] : memref<64x1024xf32, #tpu.memory_space<vmem>> -> memref<8x1024xf32, #tpu.memory_space<vmem>>
    %dma_wait3A_99 = arith.constant 0 : i32
    %dma_wait3A_100 = tpu.memref_slice %arg4[%mul3A_2, %dma_wait3A_99] : memref<32768x1024xf32, #tpu.memory_space<hbm>> -> memref<8x1024xf32, #tpu.memory_space<hbm>>
    %dma_wait3A_101 = tpu.memref_slice %arg8[%dma_wait3A_95] : memref<8x!tpu.dma_semaphore, #tpu.memory_space<semaphore_mem>> -> memref<1x!tpu.dma_semaphore, #tpu.memory_space<semaphore_mem>>
    %dma_wait3A_102 = tpu.memref_squeeze %dma_wait3A_101 : memref<1x!tpu.dma_semaphore, #tpu.memory_space<semaphore_mem>> -> memref<!tpu.dma_semaphore, #tpu.memory_space<semaphore_mem>>
    %dma_wait3A_103 = arith.constant 0 : i32
    %dma_wait3A_104 = tpu.memref_slice %arg4[%mul3A_2, %dma_wait3A_103] : memref<32768x1024xf32, #tpu.memory_space<hbm>> -> memref<8x1024xf32, #tpu.memory_space<hbm>>
    %dma_wait3A_105 = arith.constant 56 : i32
    %dma_wait3A_106 = arith.constant 0 : i32
    %dma_wait3A_107 = tpu.memref_slice %arg6[%dma_wait3A_105, %dma_wait3A_106] : memref<64x1024xf32, #tpu.memory_space<vmem>> -> memref<8x1024xf32, #tpu.memory_space<vmem>>
    tpu.wait_dma2 semaphore(%dma_wait3A_102 : memref<!tpu.dma_semaphore, #tpu.memory_space<semaphore_mem>>) src(%dma_wait3A_107 : memref<8x1024xf32, #tpu.memory_space<vmem>>) dst(%dma_wait3A_104 : memref<8x1024xf32, #tpu.memory_space<hbm>>)
    return
  }
}

</mosaic_0001>

<sc_bundles>
// kernel: kernel.3.cloned.1.call-start
scs
__scs_entry_jumppad:
0x0: {  	(pc) =	sbr.rel $0x88, $3  }
0x1: {  	(tag) =	ssettag $0x0;
	lr =	simm.s32 $0x1  }
0x2: {  	[smem:$0x3F9F] =	sst lr;
	_ =	strace $0xD0000000  }
0x3: {  	_ = 	snop  }
0x4: {  	_ = 	snop  }
0x5: {  	_ = 	snop  }
0x6: {  	_ = 	snop  }
0x7: {  	_ = 	snop  }
__scs_overlays_trampoline_lowered:
0x8: {  	[smem:$0x3FAE] =	sst s0  }
0x9: {  	[smem:$0x3FAF] =	sst s1  }
0xa: {  	[smem:$0x3FB0] =	sst s2  }
0xb: {  	[smem:$0x3FB1] =	sst s3  }
0xc: {  	[smem:$0x3FB2] =	sst s4  }
0xd: {  	[smem:$0x3FB3] =	sst s5  }
0xe: {  	[smem:$0x3FB4] =	sst s6  }
0xf: {  	[smem:$0x3FB5] =	sst s7  }
0x10: {  	[smem:$0x3FB6] =	sst s8  }
0x11: {  	[smem:$0x3FB7] =	sst s9;
	s0 =	simm.s32 @!p0 $0x0  }
0x12: {  	s1 =	sld [smem:$0x3F9D];
	s0 =	simm.s32 @p0 $0x1  }
0x13: {  	[smem:$0x3FB8] =	sst s0;
	s0 =	simm.s32 @!p1 $0x0  }
0x14: {  	s2 =	sld [smem:$0x3F9C];
	s0 =	simm.s32 @p1 $0x1  }
0x15: {  	[smem:$0x3FB9] =	sst s0;
	s0 =	simm.s32 @!p2 $0x0  }
0x16: {  	s3 =	sld [smem:$0x3FDB];
	s0 =	simm.s32 @p2 $0x1  }
0x17: {  	s4 =	simm.s32 $0x1BF5;
	[smem:$0x3FBB] =	sst s0  }
0x18: {  	s0 =	sld [smem:$0x3F9E];
	_ =	swait.ge [sflag:s4], $0x0  }
0x19: {  	s7 =	sld [smem:$0x3F9F]  }
0x1a: {  	s8 =	sadd.s32 $0xFFFFE003, lr  }
0x1b: {  	s9 =	sadd.s32 $0xFFFFFEF7, lr;
	s5 =	simm.s32 $0xFFFFFFFF;
	p2 =	slt.u32 s8, $0xFFFFF086  }
0x1c: {  	p1 =	slt.u32 s9, $0xF7A;
	s5 =	simm.s32 @!p2 $0x0  }
0x1d: {  	s5 =	simm.s32 @p1 $0x1;
	p0 =	seq.s32 s7, s2  }
0x1e: {  	s7 =	smul.u32 @!p0 $0xF7A, s2;
	p2 =	seq.s32 @!p0 s5, $0x0  }
0x1f: {  	s9 =	smul.u32 $0xF7A, s1;
	s8 =	simm.s32 @!p0 $0x1BF5;
	p2 =	por !p2, p0  }
0x20: {  	[sflag:s8] =	ssyncset.s32 @!p0 $0xFFFFF086;
	s6 =	sadd.s32 @!p0 s3, s7;
	s7 =	simm.s32 @!p0 $0x108  }
0x21: {  	s3 =	sadd.s32 s3, s9;
	s6 =	sadd.s32 @!p0 $0x88, s6;
	s7 =	simm.s32 @p2 $0x1082  }
0x22: {  	[simem:s7], [sflag:s8] =	dma.local @!p0 [hbm:s6], $0xF7A  }
0x23: {  	s9 =	sor.u32 $0xD0000000, s2;
	s6 =	simm.s32 $0x108;
	_ =	swait.ge @!p0 [sflag:s8], $0x0  }
0x24: {  	s3 =	sadd.s32 $0x88, s3;
	s6 =	simm.s32 @!p1 $0x1082;
	[sflag:s4] =	ssyncset.s32 $0xFFFFF086  }
0x25: {  	[simem:s6], [sflag:s4] =	dma.local [hbm:s3], $0xF7A  }
0x26: {  	[smem:$0x3F9F] =	sst s1;
	(tag) =	ssettag s2;
	_ =	strace s9  }
0x27: {  	s1 =	sld [smem:$0x3FAF]  }
0x28: {  	s2 =	sld [smem:$0x3FB0]  }
0x29: {  	s4 =	sld [smem:$0x3FB2]  }
0x2a: {  	p0 =	seq.s32 s5, $0x0;
	s5 =	sld [smem:$0x3FB3]  }
0x2b: {  	s6 =	sld [smem:$0x3FB4]  }
0x2c: {  	s7 =	sld [smem:$0x3FB5]  }
0x2d: {  	s3 =	simm.s32 $0x108;
	s8 =	sld [smem:$0x3FB6]  }
0x2e: {  	s3 =	simm.s32 @!p0 $0x1082;
	s9 =	sld [smem:$0x3FB7]  }
0x2f: {  	lr =	sadd.s32 s0, s3;
	s0 =	sld [smem:$0x3FAE]  }
0x30: {  	s3 =	sld [smem:$0x3FB1]  }
0x31: {  	[smem:$0x3FBA] =	sst s10  }
0x32: {  	s10 =	sld [smem:$0x3FB8];
	_ =	sdelay $0x3  }
0x33: {  	p0 =	seq.s32 s10, $0x1;
	s10 =	sld [smem:$0x3FBA];
	_ =	sdelay $0x3  }
0x34: {  	[smem:$0x3FBA] =	sst s10  }
0x35: {  	s10 =	sld [smem:$0x3FB9];
	_ =	sdelay $0x3  }
0x36: {  	p1 =	seq.s32 s10, $0x1;
	s10 =	sld [smem:$0x3FBA];
	_ =	sdelay $0x3  }
0x37: {  	[smem:$0x3FBA] =	sst s10  }
0x38: {  	s10 =	sld [smem:$0x3FBB]  }
0x39: {  	_ = 	snop;
	(pc) =	sbr.ind lr, $3  }
0x3a: {  	_ = 	snop  }
0x3b: {  	_ = 	snop  }
0x3c: {  	p2 =	seq.s32 s10, $0x1;
	s10 =	sld [smem:$0x3FBA]  }
0x3d: {  	_ =	shalt  }
0x3e: {  	_ =	shalt  }
0x3f: {  	_ =	shalt  }
0x40: {  	_ =	shalt  }
0x41: {  	_ =	shalt  }
0x42: {  	_ =	shalt  }
0x43: {  	_ =	shalt  }
0x44: {  	_ =	shalt  }
0x45: {  	_ =	shalt  }
0x46: {  	_ =	shalt  }
0x47: {  	_ =	shalt  }
0x48: {  	_ =	shalt  }
0x49: {  	_ =	shalt  }
0x4a: {  	_ =	shalt  }
0x4b: {  	_ =	shalt  }
0x4c: {  	_ =	shalt  }
0x4d: {  	_ =	shalt  }
0x4e: {  	_ =	shalt  }
0x4f: {  	_ =	shalt  }
0x50: {  	_ =	shalt  }
0x51: {  	_ =	shalt  }
0x52: {  	_ =	shalt  }
0x53: {  	_ =	shalt  }
0x54: {  	_ =	shalt  }
0x55: {  	_ =	shalt  }
0x56: {  	_ =	shalt  }
0x57: {  	_ =	shalt  }
0x58: {  	_ =	shalt  }
0x59: {  	_ =	shalt  }
0x5a: {  	_ =	shalt  }
0x5b: {  	_ =	shalt  }
0x5c: {  	_ =	shalt  }
0x5d: {  	_ =	shalt  }
0x5e: {  	_ =	shalt  }
0x5f: {  	_ =	shalt  }
0x60: {  	_ =	shalt  }
0x61: {  	_ =	shalt  }
0x62: {  	_ =	shalt  }
0x63: {  	_ =	shalt  }
0x64: {  	_ =	shalt  }
0x65: {  	_ =	shalt  }
0x66: {  	_ =	shalt  }
0x67: {  	_ =	shalt  }
0x68: {  	_ =	shalt  }
0x69: {  	_ =	shalt  }
0x6a: {  	_ =	shalt  }
0x6b: {  	_ =	shalt  }
0x6c: {  	_ =	shalt  }
0x6d: {  	_ =	shalt  }
0x6e: {  	_ =	shalt  }
0x6f: {  	_ =	shalt  }
0x70: {  	_ =	shalt  }
0x71: {  	_ =	shalt  }
0x72: {  	_ =	shalt  }
0x73: {  	_ =	shalt  }
0x74: {  	_ =	shalt  }
0x75: {  	_ =	shalt  }
0x76: {  	_ =	shalt  }
0x77: {  	_ =	shalt  }
0x78: {  	_ =	shalt  }
0x79: {  	_ =	shalt  }
0x7a: {  	_ =	shalt  }
0x7b: {  	_ =	shalt  }
0x7c: {  	_ =	shalt  }
0x7d: {  	_ =	shalt  }
0x7e: {  	_ =	shalt  }
0x7f: {  	_ =	shalt  }
0x80: {  	_ =	shalt  }
0x81: {  	_ =	shalt  }
0x82: {  	_ =	shalt  }
0x83: {  	_ =	shalt  }
0x84: {  	_ =	shalt  }
0x85: {  	_ =	shalt  }
0x86: {  	_ =	shalt  }
0x87: {  	_ =	shalt  }
.Lfunc_end0:
.L_simem_size_0:
called_computation_lowered:
.L_overlay_start_0:
0x88: {  	s2 =	sld [smem:$0x3FD9]  }
0x89: {  	s3 =	sld [smem:$0x3FFE];
	_ =	sdelay $0x1  }
0x8a: {  	s1 =	srdreg.scid  }
0x8b: {  	s0 =	sand.u32 $0x1, s1  }
0x8c: {  	s17 =	sshll.u32 s0, $0xA;
	s2 =	sadd.s32 s3, s2  }
0x8d: {  	s2 =	sadd.s32 s2, s17  }
0x8e: {  	[smem:$0x3FC6] =	sst s2  }
0x8f: {  	_ = 	snop  }
0x90: {  	s2 =	sld [smem:$0x3FC8]  }
0x91: {  	s18 =	sld [smem:$0x3FD0];
	(tm) =	ssettm $0x1  }
0x92: {  	s4 =	sld [smem:$0x3FFB];
	_ =	sdelay $0x3  }
0x93: {  	_ =	strace s4  }
0x94: {  	s4 =	sld [smem:$0x3FFC];
	_ =	sdelay $0x3  }
0x95: {  	_ =	strace s4  }
0x96: {  	s4 =	sld [smem:$0x3FFD];
	_ =	sdelay $0x3  }
0x97: {  	_ =	strace s4  }
0x98: {  	_ =	strace $0x8FFFFFFF  }
0x99: {  	s19 =	sld [smem:$0x3FDB];
	_ =	sdelay $0x1  }
0x9a: {  	s5 =	simm.s32 $_scs_section_size  }
0x9b: {  	s6 =	simm.s32 $_size__tile_overlayer_lowered;
	s7 =	simm.s32 $_tile_overlayer_lowered  }
0x9c: {  	s22 =	simm.s32 $0x1BFF;
	s21 =	sshll.u32 s7, $0x1;
	s4 =	sadd.s32 s5, s19  }
0x9d: {  	s8 =	simm.s32 $0x0;
	s20 =	sshll.u32 s6, $0x1;
	s6 =	sadd.s32 s21, s4  }
0x9e: {  	[timem:s8], [sflag:s22] =	dma.local [hbm:s6], s20  }
0x9f: {  	_ =	swait.ge [sflag:s22], s20  }
0xa0: {  	s5 =	ssub.s32 $0x0, s20;
	[sflag:s22] =	ssyncset.done $0x0  }
0xa1: {  	[sflag:s22] =	ssyncadd.s32 s5;
	_ =	sdelay $0x1  }
0xa2: {  	s23 =	simm.s32 $0x1B8B  }
0xa3: {  	_ =	swait.ge [sflag:s23], $0x1  }
0xa4: {  	[sflag:s23] =	ssyncset.done $0x0  }
0xa5: {  	s25 =	simm.s32 $0x1B8E;
	s24 =	sld [smem:$0x3FFE];
	[sflag:s23] =	ssyncadd.s32 $0xFFFFFFFF  }
0xa6: {  	s26 =	simm.s32 $execute0_lowered;
	[smem:$0x3FD2] =	sst s25  }
0xa7: {  	s6 =	sshll.u32 s26, $0x1;
	_ =	strace $0x80000046;
	[dreg:$0x1] =	wrdreg $0xFFFFFFFF  }
0xa8: {  	s28 =	simm.s32 $_size_execute0_lowered;
	s4 =	sadd.s32 s4, s6;
	[dreg:$0x0] =	wrdreg $0x0  }
0xa9: {  	s6 =	sshll.u32 s28, $0x1;
	[dreg:$0x2] =	wrdreg s4  }
0xaa: {  	[dreg:$0x3] =	wrdreg s6  }
0xab: {  	[dreg:$0x4] =	wrdreg $0xC0  }
0xac: {  	_ =	task [dreg:s8], $0x5FFFF  }
0xad: {  	[dreg:$0x1] =	wrdreg $0xFFFFFFFF  }
0xae: {  	[dreg:$0x0] =	wrdreg $0x60  }
0xaf: {  	[dreg:$0x2] =	wrdreg s24  }
0xb0: {  	[dreg:$0x3] =	wrdreg s2  }
0xb1: {  	[dreg:$0x4] =	wrdreg s18  }
0xb2: {  	[dreg:$0x5] =	wrdreg $0x9  }
0xb3: {  	_ =	task.clear_ibuf [dreg:s8], $0x6FFFF;
	_ =	strace $0x90000046  }
0xb4: {  	s29 =	simm.s32 $0x9;
	_ =	strace $0x80000048  }
0xb5: {  	_ =	swait.ge [sflag:s29], $0x1  }
0xb6: {  	[sflag:s29] =	ssyncadd.s32 $0xFFFFFFFF  }
0xb7: {  	_ =	strace $0x90000048  }
0xb8: {  	_ =	sfence  }
0xb9: {  	s30 =	sld [smem:$0x0];
	_ =	sdelay $0x2  }
0xba: {  	s31 =	sshll.u32 s1, $0xD;
	s1 =	sshrl.u32 s1, $0x2  }
0xbb: {  	s3 =	sand.u32 $0x4000, s31;
	s1 =	sadd.s32 s1, s30  }
0xbc: {  	s0 =	sor.u32 s3, s0;
	s1 =	sshll.u32 s1, $0x11  }
0xbd: {  	s0 =	sor.u32 s1, s0  }
0xbe: {  	s0 =	sadd.s32 $0x8F2B, s0  }
0xbf: {  	[sflag:s0] =	ssyncadd.remote.s32 $0x1  }
0xc0: {  	_ =	sfence.sel $0xFFFF  }
0xc1: {  	[dreg:$0x0] =	wrdreg $0xFFFFFFFF;
	(pc) =	sbr.abs _section_cstart, $3  }
0xc2: {  	[dreg:$0x1] =	wrdreg $0xFFFFFFFF  }
0xc3: {  	_ =	task.clear_ibuf [dreg:s8], $0x2FFFF;
	_ =	strace $0x9FFFFFFF  }
0xc4: {  	(tm) =	ssettm $0x7FFFFFFF  }
0xc5: {  	_ =	shalt  }
tec
execute0_lowered:
.L_overlay_start_1:
0x0: {  	(tag) =	ssettag $0x1  }
0x1: {  	s0 =	rddreg [dreg:$0x0]  }
0x2: {  	s2 =	rddreg [dreg:$0x1];
	s1 =	srdreg.scid  }
0x3: {  	s4 =	rddreg [dreg:$0x2];
	s9 =	stileid.u32  }
0x4: {  	s3 =	simm.s32 $0x0;
	s10 =	simm.s32 $0x400;
	s15 =	simm.s32 $0x8C00  }
0x5: {  	s16 =	simm.s32 $0x9400;
	s17 =	simm.s32 $0x9C00;
	[smem:$0x7FF] =	sst s3  }
0x6: {  	s18 =	simm.s32 $0xAC00;
	_ =	strace $0x80000047;
	[dreg:$0x5] =	wrdreg s15  }
0x7: {  	s19 =	simm.s32 $0xB400;
	s20 =	simm.s32 $0xBC00;
	[dreg:$0x6] =	wrdreg s16  }
0x8: {  	s21 =	simm.s32 $0xCC00;
	s22 =	simm.s32 $0xD400;
	[dreg:$0x7] =	wrdreg s17  }
0x9: {  	s23 =	simm.s32 $0xDC00;
	s24 =	simm.s32 $0xEC00;
	[dreg:$0x8] =	wrdreg s18  }
0xa: {  	s25 =	simm.s32 $0xF400;
	s26 =	simm.s32 $0xFC00;
	[dreg:$0x9] =	wrdreg s19  }
0xb: {  	s28 =	simm.s32 $0x8400;
	s29 =	simm.s32 $0x2;
	[dreg:$0xa] =	wrdreg s20  }
0xc: {  	s30 =	simm.s32 $0xA400;
	s31 =	simm.s32 $0x3;
	[dreg:$0xb] =	wrdreg s21  }
0xd: {  	s11 =	simm.s32 $0xE400;
	s1 =	sand.u32 $0x1, s1;
	[dreg:$0xc] =	wrdreg s22  }
0xe: {  	s5 =	sshll.u32 s9, $0xB;
	s13 =	sshll.u32 s9, $0x12;
	[dreg:$0xd] =	wrdreg s23  }
0xf: {  	s6 =	sshll.u32 s1, $0xA;
	s12 =	ssub.s32 $0x2, s1;
	[dreg:$0xe] =	wrdreg s24  }
0x10: {  	s1 =	sshll.u32 s1, $0x11;
	s18 =	simm.s32 $0x4400;
	[dreg:$0xf] =	wrdreg s25  }
0x11: {  	s22 =	simm.s32 $0x6400;
	[dreg:$0x10] =	wrdreg s26;
	s26 =	simm.s32 $0x1  }
0x12: {  	s15 =	simm.s32 $0x6;
	s16 =	simm.s32 $0xA;
	s17 =	simm.s32 $0x7  }
0x13: {  	s19 =	simm.s32 $0xB;
	s20 =	simm.s32 $0x8;
	s21 =	simm.s32 $0xC  }
0x14: {  	s5 =	sor.u32 s6, s5;
	s7 =	sshrl.u32 s12, $0x1;
	s6 =	sadd.s32 $0x200, s2  }
0x15: {  	s5 =	sshrl.u32 s5, $0x3;
	s8 =	ssub.s32 s12, s7;
	s7 =	sadd.s32 $0x300, s2  }
0x16: {  	s12 =	simm.s32 $0x5;
	s0 =	sadd.s32 s5, s0;
	s14 =	smax.u32 s8, $0x1  }
0x17: {  	s5 =	sadd.s32 $0x100, s2;
	s0 =	sadd.s32 $0x400, s0;
	[dreg:$0x12] =	wrdreg s14  }
0x18: {  	v0 =	vlaneseq.u32;
	s8 =	simm.s32 $0x0;
	[dreg:$0x11] =	wrdreg s0;
	s0 =	sadd.s32 s13, s4  }
0x19: {  	v1 =	vshrl.u32 v0, $0x3;
	s14 =	simm.s32 $0x2400;
	s13 =	simm.s32 $0x9;
	s0 =	sadd.s32 s1, s0  }
0x1a: {  	vm0 =	vmmov $0xffff;
	v0 =	vand.u32 $0x7, v0;
	v1 =	vmul.u32 $0x8, v1;
	s1 =	simm.s32 $0x4;
	[dreg:$0x4] =	wrdreg s0;
	s0 =	simm.s32 $0xC400  }
.LBB2_1:
0x1b: {  	s4 =	rddreg [dreg:$0x11];
	s25 =	simm.s32 $0x11  }
0x1c: {  	[tilespmem:s3], [sflag:$0x11] =	stream.linear.gather [hbm4b:s4+s3], $0x400, $0x38;
	[tilespmem:$0x10400] =	vst v63  }
0x1d: {  	_ =	swait.ge [sflag:s25], $0x400  }
0x1e: {  	[sflag:s25] =	ssyncset.done $0x0  }
0x1f: {  	s9 =	simm.s32 $0x20;
	[sflag:s25] =	ssyncadd.s32 $0xFFFFFC00  }
0x20: {  	v3 =	vld [tilespmem:s9+$0xFFFFFFE0]  }
0x21: {  	v4 =	vld [tilespmem:s9+$0x0]  }
0x22: {  	v5 =	vld [tilespmem:s9+$0x10]  }
0x23: {  	v2 =	vld [tilespmem:s9+$0xFFFFFFF0];
	_ =	sdelay $0x1  }
0x24: {  	vm1 =	vgt.s32 v3, $0x0  }
0x25: {  	v3 =	vnsel vm1, $0x0, v3;
	vm1 =	vgt.s32 v4, $0x0  }
0x26: {  	vm2 =	vgt.s32 v5, $0x0;
	v3 =	vmin.u32 v3, $0x1FFF;
	v4 =	vnsel vm1, $0x0, v4  }
0x27: {  	s23 =	simm.s32 $0x0;
	s24 =	simm.s32 $0x60;
	vm1 =	vgt.s32 v2, $0x0;
	[tilespmem:s9+$0xFFFFFFE0] =	vst v3;
	v3 =	vmin.u32 v4, $0x1FFF;
	v4 =	vnsel vm2, $0x0, v5  }
.LBB2_2:
0x28: {  	v5 =	vld [tilespmem:s24+$0xFFFFFFE0];
	v2 =	vnsel vm1, $0x0, v2;
	[tilespmem:s9+$0x0] =	vst v3;
	v3 =	vmin.u32 v4, $0x1FFF  }
0x29: {  	v4 =	vld [tilespmem:s24+$0x0];
	v2 =	vmin.u32 v2, $0x1FFF;
	[tilespmem:s9+$0x10] =	vst v3  }
0x2a: {  	s23 =	sadd.s32 $0x4, s23;
	v6 =	vld [tilespmem:s24+$0x10];
	[tilespmem:s9+$0xFFFFFFF0] =	vst v2;
	s9 =	smov.u32 s24  }
0x2b: {  	p0 =	slt.u32 s23, $0x3C;
	v2 =	vld [tilespmem:s24+$0xFFFFFFF0]  }
.Ltmp0:
0x2c: {  	(pc) =	sbr.rel @p0 .LBB2_2-.Ltmp0, $4  }
0x2d: {  	vm1 =	vgt.s32 v5, $0x0  }
0x2e: {  	v3 =	vnsel vm1, $0x0, v5;
	vm1 =	vgt.s32 v4, $0x0  }
0x2f: {  	v3 =	vmin.u32 v3, $0x1FFF;
	v4 =	vnsel vm1, $0x0, v4;
	vm2 =	vgt.s32 v6, $0x0  }
0x30: {  	s24 =	sadd.s32 $0x40, s24;
	[tilespmem:s9+$0xFFFFFFE0] =	vst v3;
	vm1 =	vgt.s32 v2, $0x0;
	v3 =	vmin.u32 v4, $0x1FFF;
	v4 =	vnsel vm2, $0x0, v6  }
0x31: {  	v2 =	vnsel vm1, $0x0, v2;
	[tilespmem:s9+$0x0] =	vst v3;
	v3 =	vmin.u32 v4, $0x1FFF  }
0x32: {  	v2 =	vmin.u32 v2, $0x1FFF;
	[tilespmem:s9+$0x10] =	vst v3  }
0x33: {  	[tilespmem:s9+$0xFFFFFFF0] =	vst v2  }
0x34: {  	v2 =	vld.msk [tilespmem:$0x0], $0xff;
	_ =	sdelay $0x4  }
0x35: {  	v3 =	vshll.u32 v2, $0x3  }
0x36: {  	v2 =	vand.u32 $0x7, v2;
	v3 =	vand.u32 $0xFFFFFFC0, v3  }
0x37: {  	v2 =	vor.u32 v2, v3  }
0x38: {  	v2 =	vperm.xlane v2, v0;
	_ =	sdelay $0x1  }
0x39: {  	v2 =	vadd.s32 v1, v2;
	_ =	sdelay $0x3  }
0x3a: {  	s9 =	simm.s32 $0x0  }
0x3b: {  	[tilespmem:s10], [sflag:$0x1] =	stream.indirect_vreg.gather [hbm4b:s2+s9], $0x80, v2, vm0, $0xb8;
	[tilespmem:$0x10400] =	vst v63  }
0x3c: {  	s4 =	simm.s32 $0xC00  }
0x3d: {  	[tilespmem:s4], [sflag:$0x1] =	stream.indirect_vreg.gather [hbm4b:s5+s9], $0x80, v2, vm0, $0xb8;
	[tilespmem:$0x10400] =	vst v63  }
0x3e: {  	s24 =	simm.s32 $0x1400  }
0x3f: {  	[tilespmem:s24], [sflag:$0x1] =	stream.indirect_vreg.gather [hbm4b:s6+s9], $0x80, v2, vm0, $0xb8;
	[tilespmem:$0x10400] =	vst v63  }
0x40: {  	s25 =	simm.s32 $0x1C00  }
0x41: {  	[tilespmem:s25], [sflag:$0x1] =	stream.indirect_vreg.gather [hbm4b:s7+s9], $0x80, v2, vm0, $0xb8;
	[tilespmem:$0x10400] =	vst v63  }
0x42: {  	v2 =	vld.msk [tilespmem:$0x8], $0xff;
	_ =	sdelay $0x4  }
0x43: {  	v3 =	vshll.u32 v2, $0x3  }
0x44: {  	v2 =	vand.u32 $0x7, v2;
	v3 =	vand.u32 $0xFFFFFFC0, v3  }
0x45: {  	v2 =	vor.u32 v2, v3  }
0x46: {  	v2 =	vperm.xlane v2, v0;
	_ =	sdelay $0x1  }
0x47: {  	v2 =	vadd.s32 v1, v2;
	_ =	sdelay $0x4  }
0x48: {  	[tilespmem:s14], [sflag:$0x2] =	stream.indirect_vreg.gather [hbm4b:s2+s9], $0x80, v2, vm0, $0xb8;
	[tilespmem:$0x10400] =	vst v63  }
0x49: {  	s23 =	simm.s32 $0x2C00  }
0x4a: {  	[tilespmem:s23], [sflag:$0x2] =	stream.indirect_vreg.gather [hbm4b:s5+s9], $0x80, v2, vm0, $0xb8;
	[tilespmem:$0x10400] =	vst v63  }
0x4b: {  	s24 =	simm.s32 $0x3400  }
0x4c: {  	[tilespmem:s24], [sflag:$0x2] =	stream.indirect_vreg.gather [hbm4b:s6+s9], $0x80, v2, vm0, $0xb8;
	[tilespmem:$0x10400] =	vst v63  }
0x4d: {  	s25 =	simm.s32 $0x3C00  }
0x4e: {  	[tilespmem:s25], [sflag:$0x2] =	stream.indirect_vreg.gather [hbm4b:s7+s9], $0x80, v2, vm0, $0xb8;
	[tilespmem:$0x10400] =	vst v63  }
0x4f: {  	v2 =	vld.msk [tilespmem:$0x10], $0xff;
	_ =	sdelay $0x4  }
0x50: {  	v3 =	vshll.u32 v2, $0x3  }
0x51: {  	v2 =	vand.u32 $0x7, v2;
	v3 =	vand.u32 $0xFFFFFFC0, v3  }
0x52: {  	v2 =	vor.u32 v2, v3  }
0x53: {  	v2 =	vperm.xlane v2, v0;
	_ =	sdelay $0x1  }
0x54: {  	v2 =	vadd.s32 v1, v2;
	_ =	sdelay $0x4  }
0x55: {  	[tilespmem:s18], [sflag:$0x3] =	stream.indirect_vreg.gather [hbm4b:s2+s9], $0x80, v2, vm0, $0xb8;
	[tilespmem:$0x10400] =	vst v63  }
0x56: {  	s23 =	simm.s32 $0x4C00  }
0x57: {  	[tilespmem:s23], [sflag:$0x3] =	stream.indirect_vreg.gather [hbm4b:s5+s9], $0x80, v2, vm0, $0xb8;
	[tilespmem:$0x10400] =	vst v63  }
0x58: {  	s24 =	simm.s32 $0x5400  }
0x59: {  	[tilespmem:s24], [sflag:$0x3] =	stream.indirect_vreg.gather [hbm4b:s6+s9], $0x80, v2, vm0, $0xb8;
	[tilespmem:$0x10400] =	vst v63  }
0x5a: {  	s25 =	simm.s32 $0x5C00  }
0x5b: {  	[tilespmem:s25], [sflag:$0x3] =	stream.indirect_vreg.gather [hbm4b:s7+s9], $0x80, v2, vm0, $0xb8;
	[tilespmem:$0x10400] =	vst v63  }
0x5c: {  	v2 =	vld.msk [tilespmem:$0x18], $0xff;
	_ =	sdelay $0x4  }
0x5d: {  	v3 =	vshll.u32 v2, $0x3  }
0x5e: {  	v2 =	vand.u32 $0x7, v2;
	v3 =	vand.u32 $0xFFFFFFC0, v3  }
0x5f: {  	v2 =	vor.u32 v2, v3  }
0x60: {  	v2 =	vperm.xlane v2, v0;
	_ =	sdelay $0x1  }
0x61: {  	v2 =	vadd.s32 v1, v2;
	_ =	sdelay $0x4  }
0x62: {  	[tilespmem:s22], [sflag:$0x4] =	stream.indirect_vreg.gather [hbm4b:s2+s9], $0x80, v2, vm0, $0xb8;
	[tilespmem:$0x10400] =	vst v63  }
0x63: {  	s23 =	simm.s32 $0x6C00  }
0x64: {  	[tilespmem:s23], [sflag:$0x4] =	stream.indirect_vreg.gather [hbm4b:s5+s9], $0x80, v2, vm0, $0xb8;
	[tilespmem:$0x10400] =	vst v63  }
0x65: {  	s24 =	simm.s32 $0x7400  }
0x66: {  	[tilespmem:s24], [sflag:$0x4] =	stream.indirect_vreg.gather [hbm4b:s6+s9], $0x80, v2, vm0, $0xb8;
	[tilespmem:$0x10400] =	vst v63  }
0x67: {  	s25 =	simm.s32 $0x7C00;
	s23 =	simm.s32 $0x30  }
0x68: {  	[tilespmem:s25], [sflag:$0x4] =	stream.indirect_vreg.gather [hbm4b:s7+s9], $0x80, v2, vm0, $0xb8;
	[tilespmem:$0x10400] =	vst v63  }
.LBB2_4:
0x69: {  	_ =	swait.ge [sflag:s26], $0x2000  }
0x6a: {  	p0 =	seq.s32 s9, $0x0;
	[sflag:s26] =	ssyncset.done $0x0  }
0x6b: {  	s24 =	simm.s32 @!p0 $0xD;
	[sflag:s26] =	ssyncadd.s32 $0xFFFFE000  }
0x6c: {  	_ =	swait.ge @!p0 [sflag:s24], $0x2000  }
0x6d: {  	[sflag:s24] =	ssyncset.done @!p0 $0x0  }
0x6e: {  	[sflag:s24] =	ssyncadd.s32 @!p0 $0xFFFFE000  }
0x6f: {  	v2 =	vld.msk [tilespmem:s23+$0xFFFFFFF0], $0xff;
	_ =	sdelay $0x4  }
0x70: {  	v3 =	vshll.u32 v2, $0x3  }
0x71: {  	v2 =	vand.u32 $0x7, v2;
	v3 =	vand.u32 $0xFFFFFFC0, v3  }
0x72: {  	v2 =	vor.u32 v2, v3  }
0x73: {  	v2 =	vperm.xlane v2, v0;
	_ =	sdelay $0x1  }
0x74: {  	v2 =	vadd.s32 v1, v2;
	_ =	sdelay $0x3  }
0x75: {  	s4 =	rddreg [dreg:$0x5]  }
0x76: {  	[tilespmem:s28], [sflag:$0x5] =	stream.indirect_vreg.gather [hbm4b:s2+s3], $0x80, v2, vm0, $0xb8;
	[tilespmem:$0x10400] =	vst v63  }
0x77: {  	s25 =	rddreg [dreg:$0x6]  }
0x78: {  	[tilespmem:s4], [sflag:$0x5] =	stream.indirect_vreg.gather [hbm4b:s5+s3], $0x80, v2, vm0, $0xb8;
	[tilespmem:$0x10400] =	vst v63  }
0x79: {  	s4 =	rddreg [dreg:$0x4]  }
0x7a: {  	[tilespmem:s25], [sflag:$0x5] =	stream.indirect_vreg.gather [hbm4b:s6+s3], $0x80, v2, vm0, $0xb8;
	[tilespmem:$0x10400] =	vst v63  }
0x7b: {  	s25 =	rddreg [dreg:$0x7]  }
0x7c: {  	[tilespmem:s25], [sflag:$0x5] =	stream.indirect_vreg.gather [hbm4b:s7+s3], $0x80, v2, vm0, $0xb8;
	[tilespmem:$0x10400] =	vst v63  }
0x7d: {  	s24 =	sadd.s32 s9, s4  }
0x7e: {  	[hbm4b:s24+s3] =	stream.linear.scatter [tilespmem:s10], [sflag:$0x9], $0x2000, $0x38;
	[tilespmem:$0x10400] =	vst v63  }
0x7f: {  	_ =	swait.ge [sflag:s29], $0x2000  }
0x80: {  	[sflag:s29] =	ssyncset.done $0x0  }
0x81: {  	s25 =	simm.s32 @!p0 $0xE;
	[sflag:s29] =	ssyncadd.s32 $0xFFFFE000  }
0x82: {  	_ =	swait.ge @!p0 [sflag:s25], $0x2000  }
0x83: {  	[sflag:s25] =	ssyncset.done @!p0 $0x0  }
0x84: {  	[sflag:s25] =	ssyncadd.s32 @!p0 $0xFFFFE000  }
0x85: {  	v2 =	vld.msk [tilespmem:s23+$0xFFFFFFF8], $0xff;
	_ =	sdelay $0x4  }
0x86: {  	v3 =	vshll.u32 v2, $0x3  }
0x87: {  	v2 =	vand.u32 $0x7, v2;
	v3 =	vand.u32 $0xFFFFFFC0, v3  }
0x88: {  	v2 =	vor.u32 v2, v3  }
0x89: {  	v2 =	vperm.xlane v2, v0;
	_ =	sdelay $0x1  }
0x8a: {  	v2 =	vadd.s32 v1, v2;
	_ =	sdelay $0x4  }
0x8b: {  	[tilespmem:s30], [sflag:$0x6] =	stream.indirect_vreg.gather [hbm4b:s2+s3], $0x80, v2, vm0, $0xb8;
	[tilespmem:$0x10400] =	vst v63  }
0x8c: {  	s25 =	rddreg [dreg:$0x8]  }
0x8d: {  	[tilespmem:s25], [sflag:$0x6] =	stream.indirect_vreg.gather [hbm4b:s5+s3], $0x80, v2, vm0, $0xb8;
	[tilespmem:$0x10400] =	vst v63  }
0x8e: {  	s4 =	rddreg [dreg:$0x9]  }
0x8f: {  	[tilespmem:s4], [sflag:$0x6] =	stream.indirect_vreg.gather [hbm4b:s6+s3], $0x80, v2, vm0, $0xb8;
	[tilespmem:$0x10400] =	vst v63  }
0x90: {  	s25 =	rddreg [dreg:$0xa]  }
0x91: {  	[tilespmem:s25], [sflag:$0x6] =	stream.indirect_vreg.gather [hbm4b:s7+s3], $0x80, v2, vm0, $0xb8;
	[tilespmem:$0x10400] =	vst v63  }
0x92: {  	s25 =	sadd.s32 $0x400, s24  }
0x93: {  	[hbm4b:s25+s3] =	stream.linear.scatter [tilespmem:s14], [sflag:$0xA], $0x2000, $0x38;
	[tilespmem:$0x10400] =	vst v63  }
0x94: {  	_ =	swait.ge [sflag:s31], $0x2000  }
0x95: {  	[sflag:s31] =	ssyncset.done $0x0  }
0x96: {  	s4 =	simm.s32 @!p0 $0xF;
	[sflag:s31] =	ssyncadd.s32 $0xFFFFE000  }
0x97: {  	_ =	swait.ge @!p0 [sflag:s4], $0x2000  }
0x98: {  	[sflag:s4] =	ssyncset.done @!p0 $0x0  }
0x99: {  	[sflag:s4] =	ssyncadd.s32 @!p0 $0xFFFFE000  }
0x9a: {  	v2 =	vld.msk [tilespmem:s23+$0x0], $0xff;
	_ =	sdelay $0x4  }
0x9b: {  	v3 =	vshll.u32 v2, $0x3  }
0x9c: {  	v2 =	vand.u32 $0x7, v2;
	v3 =	vand.u32 $0xFFFFFFC0, v3  }
0x9d: {  	v2 =	vor.u32 v2, v3  }
0x9e: {  	v2 =	vperm.xlane v2, v0;
	_ =	sdelay $0x1  }
0x9f: {  	v2 =	vadd.s32 v1, v2;
	_ =	sdelay $0x4  }
0xa0: {  	[tilespmem:s0], [sflag:$0x7] =	stream.indirect_vreg.gather [hbm4b:s2+s3], $0x80, v2, vm0, $0xb8;
	[tilespmem:$0x10400] =	vst v63  }
0xa1: {  	s4 =	rddreg [dreg:$0xb]  }
0xa2: {  	[tilespmem:s4], [sflag:$0x7] =	stream.indirect_vreg.gather [hbm4b:s5+s3], $0x80, v2, vm0, $0xb8;
	[tilespmem:$0x10400] =	vst v63  }
0xa3: {  	s25 =	rddreg [dreg:$0xc]  }
0xa4: {  	[tilespmem:s25], [sflag:$0x7] =	stream.indirect_vreg.gather [hbm4b:s6+s3], $0x80, v2, vm0, $0xb8;
	[tilespmem:$0x10400] =	vst v63  }
0xa5: {  	s4 =	rddreg [dreg:$0xd]  }
0xa6: {  	[tilespmem:s4], [sflag:$0x7] =	stream.indirect_vreg.gather [hbm4b:s7+s3], $0x80, v2, vm0, $0xb8;
	[tilespmem:$0x10400] =	vst v63  }
0xa7: {  	s25 =	sadd.s32 $0x800, s24  }
0xa8: {  	[hbm4b:s25+s3] =	stream.linear.scatter [tilespmem:s18], [sflag:$0xB], $0x2000, $0x38;
	[tilespmem:$0x10400] =	vst v63  }
0xa9: {  	_ =	swait.ge [sflag:s1], $0x2000  }
0xaa: {  	[sflag:s1] =	ssyncset.done $0x0  }
0xab: {  	s4 =	simm.s32 @!p0 $0x10;
	[sflag:s1] =	ssyncadd.s32 $0xFFFFE000  }
0xac: {  	_ =	swait.ge @!p0 [sflag:s4], $0x2000  }
0xad: {  	[sflag:s4] =	ssyncset.done @!p0 $0x0  }
0xae: {  	[sflag:s4] =	ssyncadd.s32 @!p0 $0xFFFFE000  }
0xaf: {  	v2 =	vld.msk [tilespmem:s23+$0x8], $0xff;
	_ =	sdelay $0x4  }
0xb0: {  	v3 =	vshll.u32 v2, $0x3  }
0xb1: {  	v2 =	vand.u32 $0x7, v2;
	v3 =	vand.u32 $0xFFFFFFC0, v3  }
0xb2: {  	v2 =	vor.u32 v2, v3  }
0xb3: {  	v2 =	vperm.xlane v2, v0;
	_ =	sdelay $0x1  }
0xb4: {  	v2 =	vadd.s32 v1, v2;
	_ =	sdelay $0x4  }
0xb5: {  	[tilespmem:s11], [sflag:$0x8] =	stream.indirect_vreg.gather [hbm4b:s2+s3], $0x80, v2, vm0, $0xb8;
	[tilespmem:$0x10400] =	vst v63  }
0xb6: {  	s4 =	rddreg [dreg:$0xe]  }
0xb7: {  	[tilespmem:s4], [sflag:$0x8] =	stream.indirect_vreg.gather [hbm4b:s5+s3], $0x80, v2, vm0, $0xb8;
	[tilespmem:$0x10400] =	vst v63  }
0xb8: {  	s25 =	rddreg [dreg:$0xf]  }
0xb9: {  	[tilespmem:s25], [sflag:$0x8] =	stream.indirect_vreg.gather [hbm4b:s6+s3], $0x80, v2, vm0, $0xb8;
	[tilespmem:$0x10400] =	vst v63  }
0xba: {  	s4 =	rddreg [dreg:$0x10]  }
0xbb: {  	[tilespmem:s4], [sflag:$0x8] =	stream.indirect_vreg.gather [hbm4b:s7+s3], $0x80, v2, vm0, $0xb8;
	[tilespmem:$0x10400] =	vst v63  }
0xbc: {  	s25 =	sadd.s32 $0xC00, s24  }
0xbd: {  	[hbm4b:s25+s3] =	stream.linear.scatter [tilespmem:s22], [sflag:$0xC], $0x2000, $0x38;
	[tilespmem:$0x10400] =	vst v63  }
0xbe: {  	_ =	swait.ge [sflag:s12], $0x2000  }
0xbf: {  	[sflag:s12] =	ssyncset.done $0x0  }
0xc0: {  	[sflag:s12] =	ssyncadd.s32 $0xFFFFE000  }
0xc1: {  	_ =	swait.ge [sflag:s13], $0x2000  }
0xc2: {  	[sflag:s13] =	ssyncset.done $0x0  }
0xc3: {  	p0 =	seq.s32 s9, $0x1E000;
	[sflag:s13] =	ssyncadd.s32 $0xFFFFE000  }
0xc4: {  	v2 =	vld.msk @!p0 [tilespmem:s23+$0x10], $0xff;
	_ =	sdelay $0x4  }
0xc5: {  	v3 =	vshll.u32 @!p0 v2, $0x3  }
0xc6: {  	v4 =	vlaneseq.u32 @!p0;
	v2 =	vand.u32 @!p0 $0x7, v2;
	v3 =	vand.u32 @!p0 $0xFFFFFFC0, v3  }
0xc7: {  	v2 =	vor.u32 @!p0 v2, v3;
	v3 =	vand.u32 @!p0 $0x7, v4;
	v4 =	vshrl.u32 @!p0 v4, $0x3  }
0xc8: {  	v2 =	vperm.xlane @!p0 v2, v3;
	v4 =	vmul.u32 @!p0 $0x8, v4;
	_ =	sdelay $0x1  }
0xc9: {  	v2 =	vadd.s32 @!p0 v4, v2;
	_ =	sdelay $0x3  }
0xca: {  	vm1 =	vmmov @!p0 $0xffff;
	s4 =	simm.s32 @!p0 $0x400;
	s25 =	simm.s32 @!p0 $0x0  }
0xcb: {  	[tilespmem:s4], [sflag:$0x1] =	stream.indirect_vreg.gather @!p0 [hbm4b:s2+s25], $0x80, v2, vm1, $0xb8;
	[tilespmem:$0x10400] =	vst v63  }
0xcc: {  	s4 =	simm.s32 @!p0 $0xC00  }
0xcd: {  	[tilespmem:s4], [sflag:$0x1] =	stream.indirect_vreg.gather @!p0 [hbm4b:s5+s25], $0x80, v2, vm1, $0xb8;
	[tilespmem:$0x10400] =	vst v63  }
0xce: {  	s4 =	simm.s32 @!p0 $0x1400  }
0xcf: {  	[tilespmem:s4], [sflag:$0x1] =	stream.indirect_vreg.gather @!p0 [hbm4b:s6+s25], $0x80, v2, vm1, $0xb8;
	[tilespmem:$0x10400] =	vst v63  }
0xd0: {  	s4 =	simm.s32 @!p0 $0x1C00  }
0xd1: {  	[tilespmem:s4], [sflag:$0x1] =	stream.indirect_vreg.gather @!p0 [hbm4b:s7+s25], $0x80, v2, vm1, $0xb8;
	[tilespmem:$0x10400] =	vst v63  }
0xd2: {  	s4 =	sadd.s32 $0x1000, s24  }
0xd3: {  	[hbm4b:s4+s3] =	stream.linear.scatter [tilespmem:s28], [sflag:$0xD], $0x2000, $0x38;
	[tilespmem:$0x10400] =	vst v63  }
0xd4: {  	_ =	swait.ge [sflag:s15], $0x2000  }
0xd5: {  	[sflag:s15] =	ssyncset.done $0x0  }
0xd6: {  	[sflag:s15] =	ssyncadd.s32 $0xFFFFE000  }
0xd7: {  	_ =	swait.ge [sflag:s16], $0x2000  }
0xd8: {  	[sflag:s16] =	ssyncset.done $0x0  }
0xd9: {  	[sflag:s16] =	ssyncadd.s32 $0xFFFFE000  }
0xda: {  	v2 =	vld.msk @!p0 [tilespmem:s23+$0x18], $0xff;
	_ =	sdelay $0x4  }
0xdb: {  	v5 =	vshll.u32 @!p0 v2, $0x3  }
0xdc: {  	v2 =	vand.u32 @!p0 $0x7, v2;
	v5 =	vand.u32 @!p0 $0xFFFFFFC0, v5  }
0xdd: {  	v2 =	vor.u32 @!p0 v2, v5  }
0xde: {  	v2 =	vperm.xlane @!p0 v2, v3;
	_ =	sdelay $0x1  }
0xdf: {  	v2 =	vadd.s32 @!p0 v4, v2;
	_ =	sdelay $0x3  }
0xe0: {  	s4 =	simm.s32 @!p0 $0x2400  }
0xe1: {  	[tilespmem:s4], [sflag:$0x2] =	stream.indirect_vreg.gather @!p0 [hbm4b:s2+s25], $0x80, v2, vm1, $0xb8;
	[tilespmem:$0x10400] =	vst v63  }
0xe2: {  	s4 =	simm.s32 @!p0 $0x2C00  }
0xe3: {  	[tilespmem:s4], [sflag:$0x2] =	stream.indirect_vreg.gather @!p0 [hbm4b:s5+s25], $0x80, v2, vm1, $0xb8;
	[tilespmem:$0x10400] =	vst v63  }
0xe4: {  	s4 =	simm.s32 @!p0 $0x3400  }
0xe5: {  	[tilespmem:s4], [sflag:$0x2] =	stream.indirect_vreg.gather @!p0 [hbm4b:s6+s25], $0x80, v2, vm1, $0xb8;
	[tilespmem:$0x10400] =	vst v63  }
0xe6: {  	s4 =	simm.s32 @!p0 $0x3C00  }
0xe7: {  	[tilespmem:s4], [sflag:$0x2] =	stream.indirect_vreg.gather @!p0 [hbm4b:s7+s25], $0x80, v2, vm1, $0xb8;
	[tilespmem:$0x10400] =	vst v63  }
0xe8: {  	s4 =	sadd.s32 $0x1400, s24  }
0xe9: {  	[hbm4b:s4+s3] =	stream.linear.scatter [tilespmem:s30], [sflag:$0xE], $0x2000, $0x38;
	[tilespmem:$0x10400] =	vst v63  }
0xea: {  	_ =	swait.ge [sflag:s17], $0x2000  }
0xeb: {  	[sflag:s17] =	ssyncset.done $0x0  }
0xec: {  	[sflag:s17] =	ssyncadd.s32 $0xFFFFE000  }
0xed: {  	_ =	swait.ge [sflag:s19], $0x2000  }
0xee: {  	[sflag:s19] =	ssyncset.done $0x0  }
0xef: {  	[sflag:s19] =	ssyncadd.s32 $0xFFFFE000  }
0xf0: {  	v2 =	vld.msk @!p0 [tilespmem:s23+$0x20], $0xff;
	_ =	sdelay $0x4  }
0xf1: {  	v5 =	vshll.u32 @!p0 v2, $0x3  }
0xf2: {  	v2 =	vand.u32 @!p0 $0x7, v2;
	v5 =	vand.u32 @!p0 $0xFFFFFFC0, v5  }
0xf3: {  	v2 =	vor.u32 @!p0 v2, v5  }
0xf4: {  	v2 =	vperm.xlane @!p0 v2, v3;
	_ =	sdelay $0x1  }
0xf5: {  	v2 =	vadd.s32 @!p0 v4, v2;
	_ =	sdelay $0x3  }
0xf6: {  	s4 =	simm.s32 @!p0 $0x4400  }
0xf7: {  	[tilespmem:s4], [sflag:$0x3] =	stream.indirect_vreg.gather @!p0 [hbm4b:s2+s25], $0x80, v2, vm1, $0xb8;
	[tilespmem:$0x10400] =	vst v63  }
0xf8: {  	s4 =	simm.s32 @!p0 $0x4C00  }
0xf9: {  	[tilespmem:s4], [sflag:$0x3] =	stream.indirect_vreg.gather @!p0 [hbm4b:s5+s25], $0x80, v2, vm1, $0xb8;
	[tilespmem:$0x10400] =	vst v63  }
0xfa: {  	s4 =	simm.s32 @!p0 $0x5400  }
0xfb: {  	[tilespmem:s4], [sflag:$0x3] =	stream.indirect_vreg.gather @!p0 [hbm4b:s6+s25], $0x80, v2, vm1, $0xb8;
	[tilespmem:$0x10400] =	vst v63  }
0xfc: {  	s4 =	simm.s32 @!p0 $0x5C00  }
0xfd: {  	[tilespmem:s4], [sflag:$0x3] =	stream.indirect_vreg.gather @!p0 [hbm4b:s7+s25], $0x80, v2, vm1, $0xb8;
	[tilespmem:$0x10400] =	vst v63  }
0xfe: {  	s4 =	sadd.s32 $0x1800, s24  }
0xff: {  	[hbm4b:s4+s3] =	stream.linear.scatter [tilespmem:s0], [sflag:$0xF], $0x2000, $0x38;
	[tilespmem:$0x10400] =	vst v63  }
0x100: {  	_ =	swait.ge [sflag:s20], $0x2000  }
0x101: {  	[sflag:s20] =	ssyncset.done $0x0  }
0x102: {  	[sflag:s20] =	ssyncadd.s32 $0xFFFFE000  }
0x103: {  	_ =	swait.ge [sflag:s21], $0x2000  }
0x104: {  	[sflag:s21] =	ssyncset.done $0x0  }
0x105: {  	[sflag:s21] =	ssyncadd.s32 $0xFFFFE000  }
0x106: {  	v2 =	vld.msk @!p0 [tilespmem:s23+$0x28], $0xff;
	_ =	sdelay $0x4  }
0x107: {  	v5 =	vshll.u32 @!p0 v2, $0x3  }
0x108: {  	v2 =	vand.u32 @!p0 $0x7, v2;
	v5 =	vand.u32 @!p0 $0xFFFFFFC0, v5  }
0x109: {  	v2 =	vor.u32 @!p0 v2, v5  }
0x10a: {  	v2 =	vperm.xlane @!p0 v2, v3;
	_ =	sdelay $0x1  }
0x10b: {  	v2 =	vadd.s32 @!p0 v4, v2;
	_ =	sdelay $0x3  }
0x10c: {  	s4 =	simm.s32 @!p0 $0x6400  }
0x10d: {  	[tilespmem:s4], [sflag:$0x4] =	stream.indirect_vreg.gather @!p0 [hbm4b:s2+s25], $0x80, v2, vm1, $0xb8;
	[tilespmem:$0x10400] =	vst v63  }
0x10e: {  	s4 =	simm.s32 @!p0 $0x6C00  }
0x10f: {  	[tilespmem:s4], [sflag:$0x4] =	stream.indirect_vreg.gather @!p0 [hbm4b:s5+s25], $0x80, v2, vm1, $0xb8;
	[tilespmem:$0x10400] =	vst v63  }
0x110: {  	s4 =	simm.s32 @!p0 $0x7400  }
0x111: {  	[tilespmem:s4], [sflag:$0x4] =	stream.indirect_vreg.gather @!p0 [hbm4b:s6+s25], $0x80, v2, vm1, $0xb8;
	[tilespmem:$0x10400] =	vst v63  }
0x112: {  	s9 =	sadd.s32 $0x2000, s9;
	s4 =	simm.s32 @!p0 $0x7C00  }
0x113: {  	[tilespmem:s4], [sflag:$0x4] =	stream.indirect_vreg.gather @!p0 [hbm4b:s7+s25], $0x80, v2, vm1, $0xb8;
	[tilespmem:$0x10400] =	vst v63  }
0x114: {  	p0 =	sne.s32 s9, $0x20000  }
.Ltmp1:
0x115: {  	_ = 	snop;
	(pc) =	sbr.rel @p0 .LBB2_4-.Ltmp1, $3  }
0x116: {  	_ =	sdelay $0x1  }
0x117: {  	s23 =	sadd.s32 $0x40, s23;
	s25 =	sadd.s32 $0x1C00, s24  }
0x118: {  	[hbm4b:s25+s3] =	stream.linear.scatter [tilespmem:s11], [sflag:$0x10], $0x2000, $0x38;
	[tilespmem:$0x10400] =	vst v63  }
0x119: {  	s4 =	simm.s32 $0xD  }
0x11a: {  	_ =	swait.ge [sflag:s4], $0x2000  }
0x11b: {  	[sflag:s4] =	ssyncset.done $0x0  }
0x11c: {  	s23 =	simm.s32 $0xE;
	[sflag:s4] =	ssyncadd.s32 $0xFFFFE000  }
0x11d: {  	_ =	swait.ge [sflag:s23], $0x2000  }
0x11e: {  	[sflag:s23] =	ssyncset.done $0x0  }
0x11f: {  	s24 =	simm.s32 $0xF;
	[sflag:s23] =	ssyncadd.s32 $0xFFFFE000  }
0x120: {  	_ =	swait.ge [sflag:s24], $0x2000  }
0x121: {  	[sflag:s24] =	ssyncset.done $0x0  }
0x122: {  	s9 =	simm.s32 $0x10;
	[sflag:s24] =	ssyncadd.s32 $0xFFFFE000  }
0x123: {  	_ =	swait.ge [sflag:s9], $0x2000  }
0x124: {  	s8 =	sadd.s32 $0x1, s8;
	s25 =	rddreg [dreg:$0x12]  }
0x125: {  	p0 =	sne.s32 s8, s25  }
.Ltmp2:
0x126: {  	_ = 	snop;
	(pc) =	sbr.rel @p0 .LBB2_1-.Ltmp2, $3  }
0x127: {  	_ =	sdelay $0x1  }
0x128: {  	[sflag:s9] =	ssyncset.done $0x0  }
0x129: {  	[sflag:s9] =	ssyncadd.s32 $0xFFFFE000  }
0x12a: {  	_ =	sfence.sel $0x180000  }
0x12b: {  	[bflag:$0x0] =	sbarrier.arrive $0xFFFF  }
0x12c: {  	_ =	strace $0x90000047  }
0x12d: {  	s0 =	stileid.u32;
	[bflag:$0x2] =	sbarrier.arrive $0xFFFF  }
0x12e: {  	p0 =	sne.s32 s0, $0x0;
	s0 =	rddreg [dreg:$0x3]  }
0x12f: {  	s0 =	sadd.s32 @!p0 $0x100000, s0  }
0x130: {  	[sflag:s0] =	ssyncadd.tile.s32 @!p0 $0x1;
	_ =	shalt  }
.Lfunc_end2:
_tile_overlayer_lowered:
.L_overlay_start_2:
0x131: {  	(tag) =	ssettag $0x2  }
0x132: {  	s0 =	rddreg [dreg:$0x0];
	s2 =	stileid.u32  }
0x133: {  	s1 =	rddreg [dreg:$0x1];
	p0 =	sne.s32 s2, $0x0  }
0x134: {  	s3 =	rddreg [dreg:$0x2];
	[bflag:$0x3] =	sbarrier.arrive $0xFFFF;
	s2 =	simm.s32 @!p0 $0x1C11  }
0x135: {  	[timem:s3], [sflag:s2] =	dma.local @!p0 [hbm:s0], s1  }
0x136: {  	s0 =	simm.s32 @!p0 $0x11  }
0x137: {  	_ =	swait.ge @!p0 [sflag:s0], s1  }
0x138: {  	s1 =	ssub.s32 @!p0 $0x0, s1;
	[sflag:s0] =	ssyncset.done @!p0 $0x0  }
0x139: {  	[sflag:s0] =	ssyncadd.s32 @!p0 s1  }
0x13a: {  	[bflag:$0x3] =	sbarrier.arrive $0xFFFF  }
0x13b: {  	_ =	shalt  }

</sc_bundles>
